<compile_context>
chip_gen: v7x
topology: tpu7x:2x2x1
jax: 0.10.2.dev20260603
libtpu: 0.0.44.dev20260713+nightly
codegen_flags: <defaults>
</compile_context>

<pallas_src>
import functools

import jax
import jax.numpy as jnp
from jax import lax
from jax.experimental import pallas as pl
from jax.experimental.pallas import tpu as pltpu
from jax.experimental.pallas import tpu_sc as plsc

ROWS, COLS = 4096, 200
NBREAKS = 34
NBINS = NBREAKS - 1
N = ROWS * COLS
NW = 32
TR = ROWS // 128
TF = COLS // 8
PER_W = N // NW
CHW = NBINS * 8 * 128
L = 16
GROUPS = 8 * 128 // L
BPAD = 48


@functools.partial(
    pl.kernel,
    out_type=jax.ShapeDtypeStruct((NBINS, TF, TR, 8, 128), jnp.float32),
    mesh=plsc.VectorSubcoreMesh(
        core_axis_name="c", subcore_axis_name="s", num_cores=2, num_subcores=16
    ),
    compiler_params=pltpu.CompilerParams(
        needs_layout_passes=False,
        use_tc_tiling_on_sc=False,
        disable_bounds_checks=True,
        disable_semaphore_checks=True,
    ),
    scratch_types=[
        pltpu.VMEM((NBINS, 1, 1, 8, 128), jnp.float32),
        pltpu.VMEM((NBINS, 1, 1, 8, 128), jnp.float32),
        pltpu.VMEM((TF, 1, 8, 128), jnp.float32),
        pltpu.VMEM((8 * 128,), jnp.int32),
        pltpu.VMEM((8 * 128,), jnp.int32),
        pltpu.VMEM((BPAD,), jnp.float32),
        pltpu.SemaphoreType.DMA,
        pltpu.SemaphoreType.DMA,
        pltpu.SemaphoreType.DMA,
    ],
)
def _sc_onehot(xt_hbm, breaks_hbm, out5_hbm,
               st0, st1, inb, pos0, pos1, brk,
               sin, sout0, sout1):
    wid = lax.axis_index("s") * 2 + lax.axis_index("c")

    pltpu.sync_copy(breaks_hbm, brk)
    pltpu.async_copy(xt_hbm.at[:, pl.ds(wid, 1)], inb, sin)

    lane = lax.iota(jnp.int32, L)
    ones = jnp.full((L,), 1.0, jnp.float32)
    zeros = jnp.zeros((L,), jnp.float32)
    zi = jnp.zeros((L,), jnp.int32)

    @plsc.parallel_loop(0, CHW // L, unroll=4)
    def _(j):
        w = j * L + lane
        k = w >> 10
        rem = w & 1023
        fl = rem >> 7
        rl = rem & 127
        plsc.store_scatter(st0, [k, zi, zi, fl, rl], zeros)
        plsc.store_scatter(st1, [k, zi, zi, fl, rl], zeros)

    pltpu.make_async_copy(xt_hbm.at[:, pl.ds(0, 1)], inb, sin).wait()

    def unzero(stb, posb):
        @plsc.parallel_loop(0, GROUPS, unroll=4)
        def _(j):
            fl = (j >> 3) + zi
            rl = (j & 7) * L + lane
            g = posb[pl.ds(j * L, L)]
            plsc.store_scatter(stb, [g, zi, zi, fl, rl], zeros)

    def fill(stb, posb, tf):
        @plsc.parallel_loop(0, GROUPS, unroll=4)
        def _(j):
            x = inb[tf, 0, j >> 3, pl.ds((j & 7) * L, L)]
            g = (x * jnp.float32(NBREAKS - 3)).astype(jnp.int32) + 1
            g = jnp.clip(g, 0, NBINS - 1)
            bu = plsc.load_gather(brk, [g + 1])
            bl = plsc.load_gather(brk, [g])
            g = g + (bu <= x).astype(jnp.int32) - (bl > x).astype(jnp.int32)
            fl = (j >> 3) + zi
            rl = (j & 7) * L + lane
            plsc.store_scatter(stb, [g, zi, zi, fl, rl], ones)
            posb[pl.ds(j * L, L)] = g

    bufs = ((st0, pos0, sout0), (st1, pos1, sout1))

    def chunk_pair(p, c):
        for b in range(2):
            stb, posb, soutb = bufs[b]
            tf = 2 * p + b

            @pl.when(tf >= 2)
            def _():
                pltpu.make_async_copy(
                    stb, out5_hbm.at[:, pl.ds(0, 1), pl.ds(0, 1)], soutb
                ).wait()
                unzero(stb, posb)

            fill(stb, posb, tf)

            pltpu.async_copy(
                stb, out5_hbm.at[:, pl.ds(tf, 1), pl.ds(wid, 1)], soutb
            )

        return c

    lax.fori_loop(0, TF // 2, chunk_pair, 0)

    pltpu.make_async_copy(
        st0, out5_hbm.at[:, pl.ds(0, 1), pl.ds(0, 1)], sout0
    ).wait()
    unzero(st0, pos0)
    fill(st0, pos0, TF - 1)
    pltpu.async_copy(
        st0, out5_hbm.at[:, pl.ds(TF - 1, 1), pl.ds(wid, 1)], sout0
    )
    pltpu.make_async_copy(
        st0, out5_hbm.at[:, pl.ds(0, 1), pl.ds(0, 1)], sout0
    ).wait()
    pltpu.make_async_copy(
        st1, out5_hbm.at[:, pl.ds(0, 1), pl.ds(0, 1)], sout1
    ).wait()


def kernel(input, breaks):
    pad = jnp.full((BPAD - NBREAKS,), jnp.inf, dtype=breaks.dtype)
    breaks_padded = jnp.concatenate([breaks, pad])
    xt = input.reshape(TR, 128, TF, 8).transpose(2, 0, 3, 1)
    out5 = _sc_onehot(xt, breaks_padded)
    return out5.transpose(2, 4, 1, 3, 0).reshape(ROWS, COLS, NBINS)

# --- scband reference (transcript-rebuilt; emitter-appended) ---
"""Pipeline reference for scband-equispaced-embedding-17867063951434 (READ-ONLY COPY).

The authoritative reference and input builder live on the scoring server;
editing this copy changes nothing except your own understanding.
"""

import jax, jax.numpy as jnp
import numpy as np

START = 0.0
END = 1.0
STEPS = 32


def _make_breaks():
    breaks = jnp.linspace(START, END, STEPS)
    neg = jnp.array([-jnp.inf], dtype=breaks.dtype)
    pos = jnp.array([jnp.inf], dtype=breaks.dtype)
    return jnp.concatenate([neg, breaks, pos])


def setup_inputs(seed: int = 0) -> dict:
    key = jax.random.key(seed)
    input = jax.random.uniform(key, (4096, 200), dtype=jnp.float32)
    breaks = _make_breaks()
    return {"input": input, "breaks": breaks}


def reference(input, breaks):
    # x = input.unsqueeze(-1)
    x = input[..., None]
    # one-hot bin membership: breaks[:-1] <= x < breaks[1:]
    onehot = jnp.logical_and(breaks[:-1] <= x, x < breaks[1:])
    # .to(input) -> cast to input dtype
    return onehot.astype(input.dtype)

if __name__ == "__main__":
    import jax
    _d = setup_inputs()
    print(jax.jit(kernel)(*tuple(_d.values())))

</pallas_src>

<mosaic_0001>
#map = affine_map<(d0, d1) -> (0, 0, 0, 0)>
#map1 = affine_map<(d0, d1) -> (0)>
#map2 = affine_map<(d0, d1) -> (0, 0, 0, 0, 0)>
module attributes {stable_mosaic.version = 14 : i64} {
  func.func @_sc_onehot(%arg0: i32, %arg1: i32, %arg2: memref<25x32x8x128xf32, #tpu.memory_space<hbm>>, %arg3: memref<48xf32, #tpu.memory_space<hbm>>, %arg4: memref<33x25x32x8x128xf32, #tpu.memory_space<hbm>>, %arg5: memref<33x1x1x8x128xf32, #tpu.memory_space<vmem>>, %arg6: memref<33x1x1x8x128xf32, #tpu.memory_space<vmem>>, %arg7: memref<25x1x8x128xf32, #tpu.memory_space<vmem>>, %arg8: memref<1024xi32, #tpu.memory_space<vmem>>, %arg9: memref<1024xi32, #tpu.memory_space<vmem>>, %arg10: memref<48xf32, #tpu.memory_space<vmem>>, %arg11: memref<!tpu.dma_semaphore, #tpu.memory_space<semaphore_mem>>, %arg12: memref<!tpu.dma_semaphore, #tpu.memory_space<semaphore_mem>>, %arg13: memref<!tpu.dma_semaphore, #tpu.memory_space<semaphore_mem>>) attributes {dimension_semantics = [#tpu.dimension_semantics<core_parallel>, #tpu.dimension_semantics<subcore_parallel>], iteration_bounds = array<i64: 2, 16>, scalar_prefetch = 0 : i64, scratch_operands = 9 : i64, tpu.core_type = #tpu.core_type<sc_vector_subcore>, window_params = [{transform_indices = #map}, {transform_indices = #map1}, {transform_indices = #map2}]} {
    %mul3A = arith.constant 2 : i32
    %mul3A_0 = arith.muli %arg1, %mul3A : i32
    %add3A = arith.addi %mul3A_0, %arg0 : i32
    "tpu.region"() ({
      %run_scoped3A = tpu.sem_alloc : memref<!tpu.dma_semaphore, #tpu.memory_space<semaphore_mem>>
      tpu.enqueue_dma source(%arg3 : memref<48xf32, #tpu.memory_space<hbm>>) target(%arg10 : memref<48xf32, #tpu.memory_space<vmem>>) target_semaphore(%run_scoped3A : memref<!tpu.dma_semaphore, #tpu.memory_space<semaphore_mem>>)
      tpu.wait_dma2 semaphore(%run_scoped3A : memref<!tpu.dma_semaphore, #tpu.memory_space<semaphore_mem>>) src(%arg3 : memref<48xf32, #tpu.memory_space<hbm>>) dst(%arg10 : memref<48xf32, #tpu.memory_space<vmem>>)
      tpu.yield
    }) : () -> ()
    %dma_start3A = arith.constant 0 : i32
    %dma_start3A_1 = arith.constant 0 : i32
    %dma_start3A_2 = arith.constant 0 : i32
    %dma_start3A_3 = tpu.memref_slice %arg2[%dma_start3A, %add3A, %dma_start3A_1, %dma_start3A_2] : memref<25x32x8x128xf32, #tpu.memory_space<hbm>> -> memref<25x1x8x128xf32, #tpu.memory_space<hbm>>
    %dma_start3A_4 = arith.constant 0 : i32
    %dma_start3A_5 = arith.constant 0 : i32
    %dma_start3A_6 = arith.constant 0 : i32
    %dma_start3A_7 = tpu.memref_slice %arg2[%dma_start3A_4, %add3A, %dma_start3A_5, %dma_start3A_6] : memref<25x32x8x128xf32, #tpu.memory_space<hbm>> -> memref<25x1x8x128xf32, #tpu.memory_space<hbm>>
    tpu.enqueue_dma source(%dma_start3A_7 : memref<25x1x8x128xf32, #tpu.memory_space<hbm>>) target(%arg7 : memref<25x1x8x128xf32, #tpu.memory_space<vmem>>) target_semaphore(%arg11 : memref<!tpu.dma_semaphore, #tpu.memory_space<semaphore_mem>>)
    %iota3A = tpu.iota {dimensions = array<i32: 0>} : vector<16xi32>
    %broadcast_in_dim3A = arith.constant 1.000000e+00 : f32
    %broadcast_in_dim3A_8 = vector.broadcast %broadcast_in_dim3A : f32 to vector<16xf32>
    %broadcast_in_dim3A_9 = arith.constant 0.000000e+00 : f32
    %broadcast_in_dim3A_10 = vector.broadcast %broadcast_in_dim3A_9 : f32 to vector<16xf32>
    %broadcast_in_dim3A_11 = arith.constant 0 : i32
    %broadcast_in_dim3A_12 = vector.broadcast %broadcast_in_dim3A_11 : i32 to vector<16xi32>
    %parallel_loop3A = arith.constant 0 : i32
    %parallel_loop3A_13 = arith.constant 2112 : i32
    %parallel_loop3A_14 = arith.constant 1 : i32
    scf.for %parallel_loop3A_81 = %parallel_loop3A to %parallel_loop3A_13 step %parallel_loop3A_14  : i32 {
      %parallel_loop3A_82 = arith.constant 16 : i32
      %parallel_loop3A_83 = arith.muli %parallel_loop3A_81, %parallel_loop3A_82 : i32
      %parallel_loop3A_84 = vector.broadcast %parallel_loop3A_83 : i32 to vector<16xi32>
      %parallel_loop3A_85 = arith.addi %parallel_loop3A_84, %iota3A : vector<16xi32>
      %parallel_loop3A_86 = arith.constant 10 : i32
      %parallel_loop3A_87 = vector.broadcast %parallel_loop3A_86 : i32 to vector<16xi32>
      %parallel_loop3A_88 = arith.shrsi %parallel_loop3A_85, %parallel_loop3A_87 : vector<16xi32>
      %parallel_loop3A_89 = arith.constant 1023 : i32
      %parallel_loop3A_90 = vector.broadcast %parallel_loop3A_89 : i32 to vector<16xi32>
      %parallel_loop3A_91 = arith.andi %parallel_loop3A_85, %parallel_loop3A_90 : vector<16xi32>
      %parallel_loop3A_92 = arith.constant 7 : i32
      %parallel_loop3A_93 = vector.broadcast %parallel_loop3A_92 : i32 to vector<16xi32>
      %parallel_loop3A_94 = arith.shrsi %parallel_loop3A_91, %parallel_loop3A_93 : vector<16xi32>
      %parallel_loop3A_95 = arith.constant 127 : i32
      %parallel_loop3A_96 = vector.broadcast %parallel_loop3A_95 : i32 to vector<16xi32>
      %parallel_loop3A_97 = arith.andi %parallel_loop3A_91, %parallel_loop3A_96 : vector<16xi32>
      tpu.vector_store_idx %arg5[%parallel_loop3A_88, %broadcast_in_dim3A_12, %broadcast_in_dim3A_12, %parallel_loop3A_94, %parallel_loop3A_97], %broadcast_in_dim3A_10 : memref<33x1x1x8x128xf32, #tpu.memory_space<vmem>>[vector<16xi32>, vector<16xi32>, vector<16xi32>, vector<16xi32>, vector<16xi32>], vector<16xf32>,
      tpu.vector_store_idx %arg6[%parallel_loop3A_88, %broadcast_in_dim3A_12, %broadcast_in_dim3A_12, %parallel_loop3A_94, %parallel_loop3A_97], %broadcast_in_dim3A_10 : memref<33x1x1x8x128xf32, #tpu.memory_space<vmem>>[vector<16xi32>, vector<16xi32>, vector<16xi32>, vector<16xi32>, vector<16xi32>], vector<16xf32>,
    } {sc.loop_unroll_factor = 4 : i64, sc.parallel_access}
    %dma_wait3A = arith.constant 0 : i32
    %dma_wait3A_15 = arith.constant 0 : i32
    %dma_wait3A_16 = arith.constant 0 : i32
    %dma_wait3A_17 = arith.constant 0 : i32
    %dma_wait3A_18 = tpu.memref_slice %arg2[%dma_wait3A, %dma_wait3A_15, %dma_wait3A_16, %dma_wait3A_17] : memref<25x32x8x128xf32, #tpu.memory_space<hbm>> -> memref<25x1x8x128xf32, #tpu.memory_space<hbm>>
    %dma_wait3A_19 = arith.constant 0 : i32
    %dma_wait3A_20 = arith.constant 0 : i32
    %dma_wait3A_21 = arith.constant 0 : i32
    %dma_wait3A_22 = arith.constant 0 : i32
    %dma_wait3A_23 = tpu.memref_slice %arg2[%dma_wait3A_19, %dma_wait3A_20, %dma_wait3A_21, %dma_wait3A_22] : memref<25x32x8x128xf32, #tpu.memory_space<hbm>> -> memref<25x1x8x128xf32, #tpu.memory_space<hbm>>
    tpu.wait_dma2 semaphore(%arg11 : memref<!tpu.dma_semaphore, #tpu.memory_space<semaphore_mem>>) src(%dma_wait3A_23 : memref<25x1x8x128xf32, #tpu.memory_space<hbm>>) dst(%arg7 : memref<25x1x8x128xf32, #tpu.memory_space<vmem>>)
    %scan3A = arith.constant 0 : i32
    %scan3A_24 = arith.constant 0 : i32
    %scan3A_25 = arith.constant 12 : i32
    %scan3A_26 = arith.addi %scan3A_24, %scan3A_25 : i32
    %scan3A_27 = arith.constant 1 : i32
    scf.for %scan3A_81 = %scan3A_24 to %scan3A_26 step %scan3A_27  : i32 {
      %mul3A_82 = arith.constant 2 : i32
      %mul3A_83 = arith.muli %mul3A_82, %scan3A_81 : i32
      %add3A_84 = arith.constant 0 : i32
      %add3A_85 = arith.addi %mul3A_83, %add3A_84 : i32
      %ge3A = arith.constant 2 : i32
      %ge3A_86 = arith.cmpi sge, %add3A_85, %ge3A : i32
      %convert_element_type3A = arith.extui %ge3A_86 : i1 to i32
      %cond3A = arith.constant 0 : i32
      %cond3A_87 = arith.cmpi ne, %convert_element_type3A, %cond3A : i32
      scf.if %cond3A_87 {
        %dma_wait3A_119 = arith.constant 0 : i32
        %dma_wait3A_120 = arith.constant 0 : i32
        %dma_wait3A_121 = arith.constant 0 : i32
        %dma_wait3A_122 = arith.constant 0 : i32
        %dma_wait3A_123 = arith.constant 0 : i32
        %dma_wait3A_124 = tpu.memref_slice %arg4[%dma_wait3A_119, %dma_wait3A_120, %dma_wait3A_121, %dma_wait3A_122, %dma_wait3A_123] : memref<33x25x32x8x128xf32, #tpu.memory_space<hbm>> -> memref<33x1x1x8x128xf32, #tpu.memory_space<hbm>>
        %dma_wait3A_125 = arith.constant 0 : i32
        %dma_wait3A_126 = arith.constant 0 : i32
        %dma_wait3A_127 = arith.constant 0 : i32
        %dma_wait3A_128 = arith.constant 0 : i32
        %dma_wait3A_129 = arith.constant 0 : i32
        %dma_wait3A_130 = tpu.memref_slice %arg4[%dma_wait3A_125, %dma_wait3A_126, %dma_wait3A_127, %dma_wait3A_128, %dma_wait3A_129] : memref<33x25x32x8x128xf32, #tpu.memory_space<hbm>> -> memref<33x1x1x8x128xf32, #tpu.memory_space<hbm>>
        tpu.wait_dma2 semaphore(%arg12 : memref<!tpu.dma_semaphore, #tpu.memory_space<semaphore_mem>>) src(%arg5 : memref<33x1x1x8x128xf32, #tpu.memory_space<vmem>>) dst(%dma_wait3A_130 : memref<33x1x1x8x128xf32, #tpu.memory_space<hbm>>)
        %parallel_loop3A_131 = arith.constant 0 : i32
        %parallel_loop3A_132 = arith.constant 64 : i32
        %parallel_loop3A_133 = arith.constant 1 : i32
        scf.for %parallel_loop3A_134 = %parallel_loop3A_131 to %parallel_loop3A_132 step %parallel_loop3A_133  : i32 {
          %parallel_loop3A_135 = arith.constant 3 : i32
          %parallel_loop3A_136 = arith.shrsi %parallel_loop3A_134, %parallel_loop3A_135 : i32
          %parallel_loop3A_137 = vector.broadcast %parallel_loop3A_136 : i32 to vector<16xi32>
          %parallel_loop3A_138 = arith.addi %parallel_loop3A_137, %broadcast_in_dim3A_12 : vector<16xi32>
          %parallel_loop3A_139 = arith.constant 7 : i32
          %parallel_loop3A_140 = arith.andi %parallel_loop3A_134, %parallel_loop3A_139 : i32
          %parallel_loop3A_141 = arith.constant 16 : i32
          %parallel_loop3A_142 = arith.muli %parallel_loop3A_140, %parallel_loop3A_141 : i32
          %parallel_loop3A_143 = vector.broadcast %parallel_loop3A_142 : i32 to vector<16xi32>
          %parallel_loop3A_144 = arith.addi %parallel_loop3A_143, %iota3A : vector<16xi32>
          %parallel_loop3A_145 = arith.constant 16 : i32
          %parallel_loop3A_146 = arith.muli %parallel_loop3A_134, %parallel_loop3A_145 : i32
          %parallel_loop3A_147 = arith.index_cast %parallel_loop3A_146 : i32 to index
          %parallel_loop3A_148 = tpu.vector_load %arg8[%parallel_loop3A_147] {strides = array<i32>} : memref<1024xi32, #tpu.memory_space<vmem>>, vector<16xi32>,
          tpu.vector_store_idx %arg5[%parallel_loop3A_148, %broadcast_in_dim3A_12, %broadcast_in_dim3A_12, %parallel_loop3A_138, %parallel_loop3A_144], %broadcast_in_dim3A_10 : memref<33x1x1x8x128xf32, #tpu.memory_space<vmem>>[vector<16xi32>, vector<16xi32>, vector<16xi32>, vector<16xi32>, vector<16xi32>], vector<16xf32>,
        } {sc.loop_unroll_factor = 4 : i64, sc.parallel_access}
      } else {
      }
      %parallel_loop3A_88 = arith.constant 0 : i32
      %parallel_loop3A_89 = arith.constant 64 : i32
      %parallel_loop3A_90 = arith.constant 1 : i32
      scf.for %parallel_loop3A_119 = %parallel_loop3A_88 to %parallel_loop3A_89 step %parallel_loop3A_90  : i32 {
        %parallel_loop3A_120 = arith.constant 3 : i32
        %parallel_loop3A_121 = arith.shrsi %parallel_loop3A_119, %parallel_loop3A_120 : i32
        %parallel_loop3A_122 = arith.constant 7 : i32
        %parallel_loop3A_123 = arith.andi %parallel_loop3A_119, %parallel_loop3A_122 : i32
        %parallel_loop3A_124 = arith.constant 16 : i32
        %parallel_loop3A_125 = arith.muli %parallel_loop3A_123, %parallel_loop3A_124 : i32
        %parallel_loop3A_126 = arith.constant 0 : i32
        %parallel_loop3A_127 = arith.index_cast %add3A_85 : i32 to index
        %parallel_loop3A_128 = arith.index_cast %parallel_loop3A_126 : i32 to index
        %parallel_loop3A_129 = arith.index_cast %parallel_loop3A_121 : i32 to index
        %parallel_loop3A_130 = arith.index_cast %parallel_loop3A_125 : i32 to index
        %parallel_loop3A_131 = tpu.vector_load %arg7[%parallel_loop3A_127, %parallel_loop3A_128, %parallel_loop3A_129, %parallel_loop3A_130] {strides = array<i32>} : memref<25x1x8x128xf32, #tpu.memory_space<vmem>>, vector<16xf32>,
        %parallel_loop3A_132 = arith.constant 3.100000e+01 : f32
        %parallel_loop3A_133 = vector.broadcast %parallel_loop3A_132 : f32 to vector<16xf32>
        %parallel_loop3A_134 = arith.mulf %parallel_loop3A_131, %parallel_loop3A_133 : vector<16xf32>
        %parallel_loop3A_135 = arith.fptosi %parallel_loop3A_134 : vector<16xf32> to vector<16xi32>
        %parallel_loop3A_136 = arith.constant 1 : i32
        %parallel_loop3A_137 = vector.broadcast %parallel_loop3A_136 : i32 to vector<16xi32>
        %parallel_loop3A_138 = arith.addi %parallel_loop3A_135, %parallel_loop3A_137 : vector<16xi32>
        %parallel_loop3A_139 = arith.constant 0 : i32
        %parallel_loop3A_140 = arith.constant 32 : i32
        %parallel_loop3A_141 = vector.broadcast %parallel_loop3A_139 : i32 to vector<16xi32>
        %parallel_loop3A_142 = arith.maxsi %parallel_loop3A_141, %parallel_loop3A_138 : vector<16xi32>
        %parallel_loop3A_143 = vector.broadcast %parallel_loop3A_140 : i32 to vector<16xi32>
        %parallel_loop3A_144 = arith.minsi %parallel_loop3A_143, %parallel_loop3A_142 : vector<16xi32>
        %parallel_loop3A_145 = arith.constant 1 : i32
        %parallel_loop3A_146 = vector.broadcast %parallel_loop3A_145 : i32 to vector<16xi32>
        %parallel_loop3A_147 = arith.addi %parallel_loop3A_144, %parallel_loop3A_146 : vector<16xi32>
        %parallel_loop3A_148 = tpu.vector_load_idx %arg10[%parallel_loop3A_147] : memref<48xf32, #tpu.memory_space<vmem>>[vector<16xi32>], vector<16xf32>,
        %parallel_loop3A_149 = tpu.vector_load_idx %arg10[%parallel_loop3A_144] : memref<48xf32, #tpu.memory_space<vmem>>[vector<16xi32>], vector<16xf32>,
        %parallel_loop3A_150 = arith.cmpf ole, %parallel_loop3A_148, %parallel_loop3A_131 : vector<16xf32>
        %parallel_loop3A_151 = arith.extui %parallel_loop3A_150 : vector<16xi1> to vector<16xi32>
        %parallel_loop3A_152 = arith.addi %parallel_loop3A_144, %parallel_loop3A_151 : vector<16xi32>
        %parallel_loop3A_153 = arith.cmpf ogt, %parallel_loop3A_149, %parallel_loop3A_131 : vector<16xf32>
        %parallel_loop3A_154 = arith.extui %parallel_loop3A_153 : vector<16xi1> to vector<16xi32>
        %parallel_loop3A_155 = arith.subi %parallel_loop3A_152, %parallel_loop3A_154 : vector<16xi32>
        %parallel_loop3A_156 = arith.constant 3 : i32
        %parallel_loop3A_157 = arith.shrsi %parallel_loop3A_119, %parallel_loop3A_156 : i32
        %parallel_loop3A_158 = vector.broadcast %parallel_loop3A_157 : i32 to vector<16xi32>
        %parallel_loop3A_159 = arith.addi %parallel_loop3A_158, %broadcast_in_dim3A_12 : vector<16xi32>
        %parallel_loop3A_160 = arith.constant 7 : i32
        %parallel_loop3A_161 = arith.andi %parallel_loop3A_119, %parallel_loop3A_160 : i32
        %parallel_loop3A_162 = arith.constant 16 : i32
        %parallel_loop3A_163 = arith.muli %parallel_loop3A_161, %parallel_loop3A_162 : i32
        %parallel_loop3A_164 = vector.broadcast %parallel_loop3A_163 : i32 to vector<16xi32>
        %parallel_loop3A_165 = arith.addi %parallel_loop3A_164, %iota3A : vector<16xi32>
        tpu.vector_store_idx %arg5[%parallel_loop3A_155, %broadcast_in_dim3A_12, %broadcast_in_dim3A_12, %parallel_loop3A_159, %parallel_loop3A_165], %broadcast_in_dim3A_8 : memref<33x1x1x8x128xf32, #tpu.memory_space<vmem>>[vector<16xi32>, vector<16xi32>, vector<16xi32>, vector<16xi32>, vector<16xi32>], vector<16xf32>,
        %parallel_loop3A_166 = arith.constant 16 : i32
        %parallel_loop3A_167 = arith.muli %parallel_loop3A_119, %parallel_loop3A_166 : i32
        %parallel_loop3A_168 = arith.index_cast %parallel_loop3A_167 : i32 to index
        %parallel_loop3A_169 = tpu.vector_load %arg8[%parallel_loop3A_168] {strides = array<i32>} : memref<1024xi32, #tpu.memory_space<vmem>>, vector<16xi32>,
        tpu.vector_store %arg8[%parallel_loop3A_168], %parallel_loop3A_155 {strides = array<i32>} : memref<1024xi32, #tpu.memory_space<vmem>>, vector<16xi32>,
      } {sc.loop_unroll_factor = 4 : i64, sc.parallel_access}
      %dma_start3A_91 = arith.constant 0 : i32
      %dma_start3A_92 = arith.constant 0 : i32
      %dma_start3A_93 = arith.constant 0 : i32
      %dma_start3A_94 = tpu.memref_slice %arg4[%dma_start3A_91, %add3A_85, %add3A, %dma_start3A_92, %dma_start3A_93] : memref<33x25x32x8x128xf32, #tpu.memory_space<hbm>> -> memref<33x1x1x8x128xf32, #tpu.memory_space<hbm>>
      %dma_start3A_95 = arith.constant 0 : i32
      %dma_start3A_96 = arith.constant 0 : i32
      %dma_start3A_97 = arith.constant 0 : i32
      %dma_start3A_98 = tpu.memref_slice %arg4[%dma_start3A_95, %add3A_85, %add3A, %dma_start3A_96, %dma_start3A_97] : memref<33x25x32x8x128xf32, #tpu.memory_space<hbm>> -> memref<33x1x1x8x128xf32, #tpu.memory_space<hbm>>
      tpu.enqueue_dma source(%arg5 : memref<33x1x1x8x128xf32, #tpu.memory_space<vmem>>) target(%dma_start3A_98 : memref<33x1x1x8x128xf32, #tpu.memory_space<hbm>>) target_semaphore(%arg12 : memref<!tpu.dma_semaphore, #tpu.memory_space<semaphore_mem>>)
      %mul3A_99 = arith.constant 2 : i32
      %mul3A_100 = arith.muli %mul3A_99, %scan3A_81 : i32
      %add3A_101 = arith.constant 1 : i32
      %add3A_102 = arith.addi %mul3A_100, %add3A_101 : i32
      %ge3A_103 = arith.constant 2 : i32
      %ge3A_104 = arith.cmpi sge, %add3A_102, %ge3A_103 : i32
      %convert_element_type3A_105 = arith.extui %ge3A_104 : i1 to i32
      %cond3A_106 = arith.constant 0 : i32
      %cond3A_107 = arith.cmpi ne, %convert_element_type3A_105, %cond3A_106 : i32
      scf.if %cond3A_107 {
        %dma_wait3A_119 = arith.constant 0 : i32
        %dma_wait3A_120 = arith.constant 0 : i32
        %dma_wait3A_121 = arith.constant 0 : i32
        %dma_wait3A_122 = arith.constant 0 : i32
        %dma_wait3A_123 = arith.constant 0 : i32
        %dma_wait3A_124 = tpu.memref_slice %arg4[%dma_wait3A_119, %dma_wait3A_120, %dma_wait3A_121, %dma_wait3A_122, %dma_wait3A_123] : memref<33x25x32x8x128xf32, #tpu.memory_space<hbm>> -> memref<33x1x1x8x128xf32, #tpu.memory_space<hbm>>
        %dma_wait3A_125 = arith.constant 0 : i32
        %dma_wait3A_126 = arith.constant 0 : i32
        %dma_wait3A_127 = arith.constant 0 : i32
        %dma_wait3A_128 = arith.constant 0 : i32
        %dma_wait3A_129 = arith.constant 0 : i32
        %dma_wait3A_130 = tpu.memref_slice %arg4[%dma_wait3A_125, %dma_wait3A_126, %dma_wait3A_127, %dma_wait3A_128, %dma_wait3A_129] : memref<33x25x32x8x128xf32, #tpu.memory_space<hbm>> -> memref<33x1x1x8x128xf32, #tpu.memory_space<hbm>>
        tpu.wait_dma2 semaphore(%arg13 : memref<!tpu.dma_semaphore, #tpu.memory_space<semaphore_mem>>) src(%arg6 : memref<33x1x1x8x128xf32, #tpu.memory_space<vmem>>) dst(%dma_wait3A_130 : memref<33x1x1x8x128xf32, #tpu.memory_space<hbm>>)
        %parallel_loop3A_131 = arith.constant 0 : i32
        %parallel_loop3A_132 = arith.constant 64 : i32
        %parallel_loop3A_133 = arith.constant 1 : i32
        scf.for %parallel_loop3A_134 = %parallel_loop3A_131 to %parallel_loop3A_132 step %parallel_loop3A_133  : i32 {
          %parallel_loop3A_135 = arith.constant 3 : i32
          %parallel_loop3A_136 = arith.shrsi %parallel_loop3A_134, %parallel_loop3A_135 : i32
          %parallel_loop3A_137 = vector.broadcast %parallel_loop3A_136 : i32 to vector<16xi32>
          %parallel_loop3A_138 = arith.addi %parallel_loop3A_137, %broadcast_in_dim3A_12 : vector<16xi32>
          %parallel_loop3A_139 = arith.constant 7 : i32
          %parallel_loop3A_140 = arith.andi %parallel_loop3A_134, %parallel_loop3A_139 : i32
          %parallel_loop3A_141 = arith.constant 16 : i32
          %parallel_loop3A_142 = arith.muli %parallel_loop3A_140, %parallel_loop3A_141 : i32
          %parallel_loop3A_143 = vector.broadcast %parallel_loop3A_142 : i32 to vector<16xi32>
          %parallel_loop3A_144 = arith.addi %parallel_loop3A_143, %iota3A : vector<16xi32>
          %parallel_loop3A_145 = arith.constant 16 : i32
          %parallel_loop3A_146 = arith.muli %parallel_loop3A_134, %parallel_loop3A_145 : i32
          %parallel_loop3A_147 = arith.index_cast %parallel_loop3A_146 : i32 to index
          %parallel_loop3A_148 = tpu.vector_load %arg9[%parallel_loop3A_147] {strides = array<i32>} : memref<1024xi32, #tpu.memory_space<vmem>>, vector<16xi32>,
          tpu.vector_store_idx %arg6[%parallel_loop3A_148, %broadcast_in_dim3A_12, %broadcast_in_dim3A_12, %parallel_loop3A_138, %parallel_loop3A_144], %broadcast_in_dim3A_10 : memref<33x1x1x8x128xf32, #tpu.memory_space<vmem>>[vector<16xi32>, vector<16xi32>, vector<16xi32>, vector<16xi32>, vector<16xi32>], vector<16xf32>,
        } {sc.loop_unroll_factor = 4 : i64, sc.parallel_access}
      } else {
      }
      %parallel_loop3A_108 = arith.constant 0 : i32
      %parallel_loop3A_109 = arith.constant 64 : i32
      %parallel_loop3A_110 = arith.constant 1 : i32
      scf.for %parallel_loop3A_119 = %parallel_loop3A_108 to %parallel_loop3A_109 step %parallel_loop3A_110  : i32 {
        %parallel_loop3A_120 = arith.constant 3 : i32
        %parallel_loop3A_121 = arith.shrsi %parallel_loop3A_119, %parallel_loop3A_120 : i32
        %parallel_loop3A_122 = arith.constant 7 : i32
        %parallel_loop3A_123 = arith.andi %parallel_loop3A_119, %parallel_loop3A_122 : i32
        %parallel_loop3A_124 = arith.constant 16 : i32
        %parallel_loop3A_125 = arith.muli %parallel_loop3A_123, %parallel_loop3A_124 : i32
        %parallel_loop3A_126 = arith.constant 0 : i32
        %parallel_loop3A_127 = arith.index_cast %add3A_102 : i32 to index
        %parallel_loop3A_128 = arith.index_cast %parallel_loop3A_126 : i32 to index
        %parallel_loop3A_129 = arith.index_cast %parallel_loop3A_121 : i32 to index
        %parallel_loop3A_130 = arith.index_cast %parallel_loop3A_125 : i32 to index
        %parallel_loop3A_131 = tpu.vector_load %arg7[%parallel_loop3A_127, %parallel_loop3A_128, %parallel_loop3A_129, %parallel_loop3A_130] {strides = array<i32>} : memref<25x1x8x128xf32, #tpu.memory_space<vmem>>, vector<16xf32>,
        %parallel_loop3A_132 = arith.constant 3.100000e+01 : f32
        %parallel_loop3A_133 = vector.broadcast %parallel_loop3A_132 : f32 to vector<16xf32>
        %parallel_loop3A_134 = arith.mulf %parallel_loop3A_131, %parallel_loop3A_133 : vector<16xf32>
        %parallel_loop3A_135 = arith.fptosi %parallel_loop3A_134 : vector<16xf32> to vector<16xi32>
        %parallel_loop3A_136 = arith.constant 1 : i32
        %parallel_loop3A_137 = vector.broadcast %parallel_loop3A_136 : i32 to vector<16xi32>
        %parallel_loop3A_138 = arith.addi %parallel_loop3A_135, %parallel_loop3A_137 : vector<16xi32>
        %parallel_loop3A_139 = arith.constant 0 : i32
        %parallel_loop3A_140 = arith.constant 32 : i32
        %parallel_loop3A_141 = vector.broadcast %parallel_loop3A_139 : i32 to vector<16xi32>
        %parallel_loop3A_142 = arith.maxsi %parallel_loop3A_141, %parallel_loop3A_138 : vector<16xi32>
        %parallel_loop3A_143 = vector.broadcast %parallel_loop3A_140 : i32 to vector<16xi32>
        %parallel_loop3A_144 = arith.minsi %parallel_loop3A_143, %parallel_loop3A_142 : vector<16xi32>
        %parallel_loop3A_145 = arith.constant 1 : i32
        %parallel_loop3A_146 = vector.broadcast %parallel_loop3A_145 : i32 to vector<16xi32>
        %parallel_loop3A_147 = arith.addi %parallel_loop3A_144, %parallel_loop3A_146 : vector<16xi32>
        %parallel_loop3A_148 = tpu.vector_load_idx %arg10[%parallel_loop3A_147] : memref<48xf32, #tpu.memory_space<vmem>>[vector<16xi32>], vector<16xf32>,
        %parallel_loop3A_149 = tpu.vector_load_idx %arg10[%parallel_loop3A_144] : memref<48xf32, #tpu.memory_space<vmem>>[vector<16xi32>], vector<16xf32>,
        %parallel_loop3A_150 = arith.cmpf ole, %parallel_loop3A_148, %parallel_loop3A_131 : vector<16xf32>
        %parallel_loop3A_151 = arith.extui %parallel_loop3A_150 : vector<16xi1> to vector<16xi32>
        %parallel_loop3A_152 = arith.addi %parallel_loop3A_144, %parallel_loop3A_151 : vector<16xi32>
        %parallel_loop3A_153 = arith.cmpf ogt, %parallel_loop3A_149, %parallel_loop3A_131 : vector<16xf32>
        %parallel_loop3A_154 = arith.extui %parallel_loop3A_153 : vector<16xi1> to vector<16xi32>
        %parallel_loop3A_155 = arith.subi %parallel_loop3A_152, %parallel_loop3A_154 : vector<16xi32>
        %parallel_loop3A_156 = arith.constant 3 : i32
        %parallel_loop3A_157 = arith.shrsi %parallel_loop3A_119, %parallel_loop3A_156 : i32
        %parallel_loop3A_158 = vector.broadcast %parallel_loop3A_157 : i32 to vector<16xi32>
        %parallel_loop3A_159 = arith.addi %parallel_loop3A_158, %broadcast_in_dim3A_12 : vector<16xi32>
        %parallel_loop3A_160 = arith.constant 7 : i32
        %parallel_loop3A_161 = arith.andi %parallel_loop3A_119, %parallel_loop3A_160 : i32
        %parallel_loop3A_162 = arith.constant 16 : i32
        %parallel_loop3A_163 = arith.muli %parallel_loop3A_161, %parallel_loop3A_162 : i32
        %parallel_loop3A_164 = vector.broadcast %parallel_loop3A_163 : i32 to vector<16xi32>
        %parallel_loop3A_165 = arith.addi %parallel_loop3A_164, %iota3A : vector<16xi32>
        tpu.vector_store_idx %arg6[%parallel_loop3A_155, %broadcast_in_dim3A_12, %broadcast_in_dim3A_12, %parallel_loop3A_159, %parallel_loop3A_165], %broadcast_in_dim3A_8 : memref<33x1x1x8x128xf32, #tpu.memory_space<vmem>>[vector<16xi32>, vector<16xi32>, vector<16xi32>, vector<16xi32>, vector<16xi32>], vector<16xf32>,
        %parallel_loop3A_166 = arith.constant 16 : i32
        %parallel_loop3A_167 = arith.muli %parallel_loop3A_119, %parallel_loop3A_166 : i32
        %parallel_loop3A_168 = arith.index_cast %parallel_loop3A_167 : i32 to index
        %parallel_loop3A_169 = tpu.vector_load %arg9[%parallel_loop3A_168] {strides = array<i32>} : memref<1024xi32, #tpu.memory_space<vmem>>, vector<16xi32>,
        tpu.vector_store %arg9[%parallel_loop3A_168], %parallel_loop3A_155 {strides = array<i32>} : memref<1024xi32, #tpu.memory_space<vmem>>, vector<16xi32>,
      } {sc.loop_unroll_factor = 4 : i64, sc.parallel_access}
      %dma_start3A_111 = arith.constant 0 : i32
      %dma_start3A_112 = arith.constant 0 : i32
      %dma_start3A_113 = arith.constant 0 : i32
      %dma_start3A_114 = tpu.memref_slice %arg4[%dma_start3A_111, %add3A_102, %add3A, %dma_start3A_112, %dma_start3A_113] : memref<33x25x32x8x128xf32, #tpu.memory_space<hbm>> -> memref<33x1x1x8x128xf32, #tpu.memory_space<hbm>>
      %dma_start3A_115 = arith.constant 0 : i32
      %dma_start3A_116 = arith.constant 0 : i32
      %dma_start3A_117 = arith.constant 0 : i32
      %dma_start3A_118 = tpu.memref_slice %arg4[%dma_start3A_115, %add3A_102, %add3A, %dma_start3A_116, %dma_start3A_117] : memref<33x25x32x8x128xf32, #tpu.memory_space<hbm>> -> memref<33x1x1x8x128xf32, #tpu.memory_space<hbm>>
      tpu.enqueue_dma source(%arg6 : memref<33x1x1x8x128xf32, #tpu.memory_space<vmem>>) target(%dma_start3A_118 : memref<33x1x1x8x128xf32, #tpu.memory_space<hbm>>) target_semaphore(%arg13 : memref<!tpu.dma_semaphore, #tpu.memory_space<semaphore_mem>>)
    }
    %scan3A_28 = arith.constant 12 : i32
    %dma_wait3A_29 = arith.constant 0 : i32
    %dma_wait3A_30 = arith.constant 0 : i32
    %dma_wait3A_31 = arith.constant 0 : i32
    %dma_wait3A_32 = arith.constant 0 : i32
    %dma_wait3A_33 = arith.constant 0 : i32
    %dma_wait3A_34 = tpu.memref_slice %arg4[%dma_wait3A_29, %dma_wait3A_30, %dma_wait3A_31, %dma_wait3A_32, %dma_wait3A_33] : memref<33x25x32x8x128xf32, #tpu.memory_space<hbm>> -> memref<33x1x1x8x128xf32, #tpu.memory_space<hbm>>
    %dma_wait3A_35 = arith.constant 0 : i32
    %dma_wait3A_36 = arith.constant 0 : i32
    %dma_wait3A_37 = arith.constant 0 : i32
    %dma_wait3A_38 = arith.constant 0 : i32
    %dma_wait3A_39 = arith.constant 0 : i32
    %dma_wait3A_40 = tpu.memref_slice %arg4[%dma_wait3A_35, %dma_wait3A_36, %dma_wait3A_37, %dma_wait3A_38, %dma_wait3A_39] : memref<33x25x32x8x128xf32, #tpu.memory_space<hbm>> -> memref<33x1x1x8x128xf32, #tpu.memory_space<hbm>>
    tpu.wait_dma2 semaphore(%arg12 : memref<!tpu.dma_semaphore, #tpu.memory_space<semaphore_mem>>) src(%arg5 : memref<33x1x1x8x128xf32, #tpu.memory_space<vmem>>) dst(%dma_wait3A_40 : memref<33x1x1x8x128xf32, #tpu.memory_space<hbm>>)
    %parallel_loop3A_41 = arith.constant 0 : i32
    %parallel_loop3A_42 = arith.constant 64 : i32
    %parallel_loop3A_43 = arith.constant 1 : i32
    scf.for %parallel_loop3A_81 = %parallel_loop3A_41 to %parallel_loop3A_42 step %parallel_loop3A_43  : i32 {
      %parallel_loop3A_82 = arith.constant 3 : i32
      %parallel_loop3A_83 = arith.shrsi %parallel_loop3A_81, %parallel_loop3A_82 : i32
      %parallel_loop3A_84 = vector.broadcast %parallel_loop3A_83 : i32 to vector<16xi32>
      %parallel_loop3A_85 = arith.addi %parallel_loop3A_84, %broadcast_in_dim3A_12 : vector<16xi32>
      %parallel_loop3A_86 = arith.constant 7 : i32
      %parallel_loop3A_87 = arith.andi %parallel_loop3A_81, %parallel_loop3A_86 : i32
      %parallel_loop3A_88 = arith.constant 16 : i32
      %parallel_loop3A_89 = arith.muli %parallel_loop3A_87, %parallel_loop3A_88 : i32
      %parallel_loop3A_90 = vector.broadcast %parallel_loop3A_89 : i32 to vector<16xi32>
      %parallel_loop3A_91 = arith.addi %parallel_loop3A_90, %iota3A : vector<16xi32>
      %parallel_loop3A_92 = arith.constant 16 : i32
      %parallel_loop3A_93 = arith.muli %parallel_loop3A_81, %parallel_loop3A_92 : i32
      %parallel_loop3A_94 = arith.index_cast %parallel_loop3A_93 : i32 to index
      %parallel_loop3A_95 = tpu.vector_load %arg8[%parallel_loop3A_94] {strides = array<i32>} : memref<1024xi32, #tpu.memory_space<vmem>>, vector<16xi32>,
      tpu.vector_store_idx %arg5[%parallel_loop3A_95, %broadcast_in_dim3A_12, %broadcast_in_dim3A_12, %parallel_loop3A_85, %parallel_loop3A_91], %broadcast_in_dim3A_10 : memref<33x1x1x8x128xf32, #tpu.memory_space<vmem>>[vector<16xi32>, vector<16xi32>, vector<16xi32>, vector<16xi32>, vector<16xi32>], vector<16xf32>,
    } {sc.loop_unroll_factor = 4 : i64, sc.parallel_access}
    %parallel_loop3A_44 = arith.constant 0 : i32
    %parallel_loop3A_45 = arith.constant 64 : i32
    %parallel_loop3A_46 = arith.constant 1 : i32
    scf.for %parallel_loop3A_81 = %parallel_loop3A_44 to %parallel_loop3A_45 step %parallel_loop3A_46  : i32 {
      %parallel_loop3A_82 = arith.constant 3 : i32
      %parallel_loop3A_83 = arith.shrsi %parallel_loop3A_81, %parallel_loop3A_82 : i32
      %parallel_loop3A_84 = arith.constant 7 : i32
      %parallel_loop3A_85 = arith.andi %parallel_loop3A_81, %parallel_loop3A_84 : i32
      %parallel_loop3A_86 = arith.constant 16 : i32
      %parallel_loop3A_87 = arith.muli %parallel_loop3A_85, %parallel_loop3A_86 : i32
      %parallel_loop3A_88 = arith.constant 24 : i32
      %parallel_loop3A_89 = arith.constant 0 : i32
      %parallel_loop3A_90 = arith.index_cast %parallel_loop3A_88 : i32 to index
      %parallel_loop3A_91 = arith.index_cast %parallel_loop3A_89 : i32 to index
      %parallel_loop3A_92 = arith.index_cast %parallel_loop3A_83 : i32 to index
      %parallel_loop3A_93 = arith.index_cast %parallel_loop3A_87 : i32 to index
      %parallel_loop3A_94 = tpu.vector_load %arg7[%parallel_loop3A_90, %parallel_loop3A_91, %parallel_loop3A_92, %parallel_loop3A_93] {strides = array<i32>} : memref<25x1x8x128xf32, #tpu.memory_space<vmem>>, vector<16xf32>,
      %parallel_loop3A_95 = arith.constant 3.100000e+01 : f32
      %parallel_loop3A_96 = vector.broadcast %parallel_loop3A_95 : f32 to vector<16xf32>
      %parallel_loop3A_97 = arith.mulf %parallel_loop3A_94, %parallel_loop3A_96 : vector<16xf32>
      %parallel_loop3A_98 = arith.fptosi %parallel_loop3A_97 : vector<16xf32> to vector<16xi32>
      %parallel_loop3A_99 = arith.constant 1 : i32
      %parallel_loop3A_100 = vector.broadcast %parallel_loop3A_99 : i32 to vector<16xi32>
      %parallel_loop3A_101 = arith.addi %parallel_loop3A_98, %parallel_loop3A_100 : vector<16xi32>
      %parallel_loop3A_102 = arith.constant 0 : i32
      %parallel_loop3A_103 = arith.constant 32 : i32
      %parallel_loop3A_104 = vector.broadcast %parallel_loop3A_102 : i32 to vector<16xi32>
      %parallel_loop3A_105 = arith.maxsi %parallel_loop3A_104, %parallel_loop3A_101 : vector<16xi32>
      %parallel_loop3A_106 = vector.broadcast %parallel_loop3A_103 : i32 to vector<16xi32>
      %parallel_loop3A_107 = arith.minsi %parallel_loop3A_106, %parallel_loop3A_105 : vector<16xi32>
      %parallel_loop3A_108 = arith.constant 1 : i32
      %parallel_loop3A_109 = vector.broadcast %parallel_loop3A_108 : i32 to vector<16xi32>
      %parallel_loop3A_110 = arith.addi %parallel_loop3A_107, %parallel_loop3A_109 : vector<16xi32>
      %parallel_loop3A_111 = tpu.vector_load_idx %arg10[%parallel_loop3A_110] : memref<48xf32, #tpu.memory_space<vmem>>[vector<16xi32>], vector<16xf32>,
      %parallel_loop3A_112 = tpu.vector_load_idx %arg10[%parallel_loop3A_107] : memref<48xf32, #tpu.memory_space<vmem>>[vector<16xi32>], vector<16xf32>,
      %parallel_loop3A_113 = arith.cmpf ole, %parallel_loop3A_111, %parallel_loop3A_94 : vector<16xf32>
      %parallel_loop3A_114 = arith.extui %parallel_loop3A_113 : vector<16xi1> to vector<16xi32>
      %parallel_loop3A_115 = arith.addi %parallel_loop3A_107, %parallel_loop3A_114 : vector<16xi32>
      %parallel_loop3A_116 = arith.cmpf ogt, %parallel_loop3A_112, %parallel_loop3A_94 : vector<16xf32>
      %parallel_loop3A_117 = arith.extui %parallel_loop3A_116 : vector<16xi1> to vector<16xi32>
      %parallel_loop3A_118 = arith.subi %parallel_loop3A_115, %parallel_loop3A_117 : vector<16xi32>
      %parallel_loop3A_119 = arith.constant 3 : i32
      %parallel_loop3A_120 = arith.shrsi %parallel_loop3A_81, %parallel_loop3A_119 : i32
      %parallel_loop3A_121 = vector.broadcast %parallel_loop3A_120 : i32 to vector<16xi32>
      %parallel_loop3A_122 = arith.addi %parallel_loop3A_121, %broadcast_in_dim3A_12 : vector<16xi32>
      %parallel_loop3A_123 = arith.constant 7 : i32
      %parallel_loop3A_124 = arith.andi %parallel_loop3A_81, %parallel_loop3A_123 : i32
      %parallel_loop3A_125 = arith.constant 16 : i32
      %parallel_loop3A_126 = arith.muli %parallel_loop3A_124, %parallel_loop3A_125 : i32
      %parallel_loop3A_127 = vector.broadcast %parallel_loop3A_126 : i32 to vector<16xi32>
      %parallel_loop3A_128 = arith.addi %parallel_loop3A_127, %iota3A : vector<16xi32>
      tpu.vector_store_idx %arg5[%parallel_loop3A_118, %broadcast_in_dim3A_12, %broadcast_in_dim3A_12, %parallel_loop3A_122, %parallel_loop3A_128], %broadcast_in_dim3A_8 : memref<33x1x1x8x128xf32, #tpu.memory_space<vmem>>[vector<16xi32>, vector<16xi32>, vector<16xi32>, vector<16xi32>, vector<16xi32>], vector<16xf32>,
      %parallel_loop3A_129 = arith.constant 16 : i32
      %parallel_loop3A_130 = arith.muli %parallel_loop3A_81, %parallel_loop3A_129 : i32
      %parallel_loop3A_131 = arith.index_cast %parallel_loop3A_130 : i32 to index
      %parallel_loop3A_132 = tpu.vector_load %arg8[%parallel_loop3A_131] {strides = array<i32>} : memref<1024xi32, #tpu.memory_space<vmem>>, vector<16xi32>,
      tpu.vector_store %arg8[%parallel_loop3A_131], %parallel_loop3A_118 {strides = array<i32>} : memref<1024xi32, #tpu.memory_space<vmem>>, vector<16xi32>,
    } {sc.loop_unroll_factor = 4 : i64, sc.parallel_access}
    %dma_start3A_47 = arith.constant 0 : i32
    %dma_start3A_48 = arith.constant 24 : i32
    %dma_start3A_49 = arith.constant 0 : i32
    %dma_start3A_50 = arith.constant 0 : i32
    %dma_start3A_51 = tpu.memref_slice %arg4[%dma_start3A_47, %dma_start3A_48, %add3A, %dma_start3A_49, %dma_start3A_50] : memref<33x25x32x8x128xf32, #tpu.memory_space<hbm>> -> memref<33x1x1x8x128xf32, #tpu.memory_space<hbm>>
    %dma_start3A_52 = arith.constant 0 : i32
    %dma_start3A_53 = arith.constant 24 : i32
    %dma_start3A_54 = arith.constant 0 : i32
    %dma_start3A_55 = arith.constant 0 : i32
    %dma_start3A_56 = tpu.memref_slice %arg4[%dma_start3A_52, %dma_start3A_53, %add3A, %dma_start3A_54, %dma_start3A_55] : memref<33x25x32x8x128xf32, #tpu.memory_space<hbm>> -> memref<33x1x1x8x128xf32, #tpu.memory_space<hbm>>
    tpu.enqueue_dma source(%arg5 : memref<33x1x1x8x128xf32, #tpu.memory_space<vmem>>) target(%dma_start3A_56 : memref<33x1x1x8x128xf32, #tpu.memory_space<hbm>>) target_semaphore(%arg12 : memref<!tpu.dma_semaphore, #tpu.memory_space<semaphore_mem>>)
    %dma_wait3A_57 = arith.constant 0 : i32
    %dma_wait3A_58 = arith.constant 0 : i32
    %dma_wait3A_59 = arith.constant 0 : i32
    %dma_wait3A_60 = arith.constant 0 : i32
    %dma_wait3A_61 = arith.constant 0 : i32
    %dma_wait3A_62 = tpu.memref_slice %arg4[%dma_wait3A_57, %dma_wait3A_58, %dma_wait3A_59, %dma_wait3A_60, %dma_wait3A_61] : memref<33x25x32x8x128xf32, #tpu.memory_space<hbm>> -> memref<33x1x1x8x128xf32, #tpu.memory_space<hbm>>
    %dma_wait3A_63 = arith.constant 0 : i32
    %dma_wait3A_64 = arith.constant 0 : i32
    %dma_wait3A_65 = arith.constant 0 : i32
    %dma_wait3A_66 = arith.constant 0 : i32
    %dma_wait3A_67 = arith.constant 0 : i32
    %dma_wait3A_68 = tpu.memref_slice %arg4[%dma_wait3A_63, %dma_wait3A_64, %dma_wait3A_65, %dma_wait3A_66, %dma_wait3A_67] : memref<33x25x32x8x128xf32, #tpu.memory_space<hbm>> -> memref<33x1x1x8x128xf32, #tpu.memory_space<hbm>>
    tpu.wait_dma2 semaphore(%arg12 : memref<!tpu.dma_semaphore, #tpu.memory_space<semaphore_mem>>) src(%arg5 : memref<33x1x1x8x128xf32, #tpu.memory_space<vmem>>) dst(%dma_wait3A_68 : memref<33x1x1x8x128xf32, #tpu.memory_space<hbm>>)
    %dma_wait3A_69 = arith.constant 0 : i32
    %dma_wait3A_70 = arith.constant 0 : i32
    %dma_wait3A_71 = arith.constant 0 : i32
    %dma_wait3A_72 = arith.constant 0 : i32
    %dma_wait3A_73 = arith.constant 0 : i32
    %dma_wait3A_74 = tpu.memref_slice %arg4[%dma_wait3A_69, %dma_wait3A_70, %dma_wait3A_71, %dma_wait3A_72, %dma_wait3A_73] : memref<33x25x32x8x128xf32, #tpu.memory_space<hbm>> -> memref<33x1x1x8x128xf32, #tpu.memory_space<hbm>>
    %dma_wait3A_75 = arith.constant 0 : i32
    %dma_wait3A_76 = arith.constant 0 : i32
    %dma_wait3A_77 = arith.constant 0 : i32
    %dma_wait3A_78 = arith.constant 0 : i32
    %dma_wait3A_79 = arith.constant 0 : i32
    %dma_wait3A_80 = tpu.memref_slice %arg4[%dma_wait3A_75, %dma_wait3A_76, %dma_wait3A_77, %dma_wait3A_78, %dma_wait3A_79] : memref<33x25x32x8x128xf32, #tpu.memory_space<hbm>> -> memref<33x1x1x8x128xf32, #tpu.memory_space<hbm>>
    tpu.wait_dma2 semaphore(%arg13 : memref<!tpu.dma_semaphore, #tpu.memory_space<semaphore_mem>>) src(%arg6 : memref<33x1x1x8x128xf32, #tpu.memory_space<vmem>>) dst(%dma_wait3A_80 : memref<33x1x1x8x128xf32, #tpu.memory_space<hbm>>)
    return
  }
}

</mosaic_0001>

<sc_bundles>
// kernel: kernel.3.cloned.1.call-start
scs
__scs_entry_jumppad:
0x0: {  	(pc) =	sbr.rel $0x88, $3  }
0x1: {  	(tag) =	ssettag $0x0;
	lr =	simm.s32 $0x1  }
0x2: {  	[smem:$0x3F9F] =	sst lr;
	_ =	strace $0xD0000000  }
0x3: {  	_ = 	snop  }
0x4: {  	_ = 	snop  }
0x5: {  	_ = 	snop  }
0x6: {  	_ = 	snop  }
0x7: {  	_ = 	snop  }
__scs_overlays_trampoline_lowered:
0x8: {  	[smem:$0x3FAE] =	sst s0  }
0x9: {  	[smem:$0x3FAF] =	sst s1  }
0xa: {  	[smem:$0x3FB0] =	sst s2  }
0xb: {  	[smem:$0x3FB1] =	sst s3  }
0xc: {  	[smem:$0x3FB2] =	sst s4  }
0xd: {  	[smem:$0x3FB3] =	sst s5  }
0xe: {  	[smem:$0x3FB4] =	sst s6  }
0xf: {  	[smem:$0x3FB5] =	sst s7  }
0x10: {  	[smem:$0x3FB6] =	sst s8  }
0x11: {  	[smem:$0x3FB7] =	sst s9;
	s0 =	simm.s32 @!p0 $0x0  }
0x12: {  	s1 =	sld [smem:$0x3F9D];
	s0 =	simm.s32 @p0 $0x1  }
0x13: {  	[smem:$0x3FB8] =	sst s0;
	s0 =	simm.s32 @!p1 $0x0  }
0x14: {  	s2 =	sld [smem:$0x3F9C];
	s0 =	simm.s32 @p1 $0x1  }
0x15: {  	[smem:$0x3FB9] =	sst s0;
	s0 =	simm.s32 @!p2 $0x0  }
0x16: {  	s3 =	sld [smem:$0x3FDB];
	s0 =	simm.s32 @p2 $0x1  }
0x17: {  	s4 =	simm.s32 $0x1BF5;
	[smem:$0x3FBB] =	sst s0  }
0x18: {  	s0 =	sld [smem:$0x3F9E];
	_ =	swait.ge [sflag:s4], $0x0  }
0x19: {  	s7 =	sld [smem:$0x3F9F]  }
0x1a: {  	s8 =	sadd.s32 $0xFFFFE003, lr  }
0x1b: {  	s9 =	sadd.s32 $0xFFFFFEF7, lr;
	s5 =	simm.s32 $0xFFFFFFFF;
	p2 =	slt.u32 s8, $0xFFFFF086  }
0x1c: {  	p1 =	slt.u32 s9, $0xF7A;
	s5 =	simm.s32 @!p2 $0x0  }
0x1d: {  	s5 =	simm.s32 @p1 $0x1;
	p0 =	seq.s32 s7, s2  }
0x1e: {  	s7 =	smul.u32 @!p0 $0xF7A, s2;
	p2 =	seq.s32 @!p0 s5, $0x0  }
0x1f: {  	s9 =	smul.u32 $0xF7A, s1;
	s8 =	simm.s32 @!p0 $0x1BF5;
	p2 =	por !p2, p0  }
0x20: {  	[sflag:s8] =	ssyncset.s32 @!p0 $0xFFFFF086;
	s6 =	sadd.s32 @!p0 s3, s7;
	s7 =	simm.s32 @!p0 $0x108  }
0x21: {  	s3 =	sadd.s32 s3, s9;
	s6 =	sadd.s32 @!p0 $0x88, s6;
	s7 =	simm.s32 @p2 $0x1082  }
0x22: {  	[simem:s7], [sflag:s8] =	dma.local @!p0 [hbm:s6], $0xF7A  }
0x23: {  	s9 =	sor.u32 $0xD0000000, s2;
	s6 =	simm.s32 $0x108;
	_ =	swait.ge @!p0 [sflag:s8], $0x0  }
0x24: {  	s3 =	sadd.s32 $0x88, s3;
	s6 =	simm.s32 @!p1 $0x1082;
	[sflag:s4] =	ssyncset.s32 $0xFFFFF086  }
0x25: {  	[simem:s6], [sflag:s4] =	dma.local [hbm:s3], $0xF7A  }
0x26: {  	[smem:$0x3F9F] =	sst s1;
	(tag) =	ssettag s2;
	_ =	strace s9  }
0x27: {  	s1 =	sld [smem:$0x3FAF]  }
0x28: {  	s2 =	sld [smem:$0x3FB0]  }
0x29: {  	s4 =	sld [smem:$0x3FB2]  }
0x2a: {  	p0 =	seq.s32 s5, $0x0;
	s5 =	sld [smem:$0x3FB3]  }
0x2b: {  	s6 =	sld [smem:$0x3FB4]  }
0x2c: {  	s7 =	sld [smem:$0x3FB5]  }
0x2d: {  	s3 =	simm.s32 $0x108;
	s8 =	sld [smem:$0x3FB6]  }
0x2e: {  	s3 =	simm.s32 @!p0 $0x1082;
	s9 =	sld [smem:$0x3FB7]  }
0x2f: {  	lr =	sadd.s32 s0, s3;
	s0 =	sld [smem:$0x3FAE]  }
0x30: {  	s3 =	sld [smem:$0x3FB1]  }
0x31: {  	[smem:$0x3FBA] =	sst s10  }
0x32: {  	s10 =	sld [smem:$0x3FB8];
	_ =	sdelay $0x3  }
0x33: {  	p0 =	seq.s32 s10, $0x1;
	s10 =	sld [smem:$0x3FBA];
	_ =	sdelay $0x3  }
0x34: {  	[smem:$0x3FBA] =	sst s10  }
0x35: {  	s10 =	sld [smem:$0x3FB9];
	_ =	sdelay $0x3  }
0x36: {  	p1 =	seq.s32 s10, $0x1;
	s10 =	sld [smem:$0x3FBA];
	_ =	sdelay $0x3  }
0x37: {  	[smem:$0x3FBA] =	sst s10  }
0x38: {  	s10 =	sld [smem:$0x3FBB]  }
0x39: {  	_ = 	snop;
	(pc) =	sbr.ind lr, $3  }
0x3a: {  	_ = 	snop  }
0x3b: {  	_ = 	snop  }
0x3c: {  	p2 =	seq.s32 s10, $0x1;
	s10 =	sld [smem:$0x3FBA]  }
0x3d: {  	_ =	shalt  }
0x3e: {  	_ =	shalt  }
0x3f: {  	_ =	shalt  }
0x40: {  	_ =	shalt  }
0x41: {  	_ =	shalt  }
0x42: {  	_ =	shalt  }
0x43: {  	_ =	shalt  }
0x44: {  	_ =	shalt  }
0x45: {  	_ =	shalt  }
0x46: {  	_ =	shalt  }
0x47: {  	_ =	shalt  }
0x48: {  	_ =	shalt  }
0x49: {  	_ =	shalt  }
0x4a: {  	_ =	shalt  }
0x4b: {  	_ =	shalt  }
0x4c: {  	_ =	shalt  }
0x4d: {  	_ =	shalt  }
0x4e: {  	_ =	shalt  }
0x4f: {  	_ =	shalt  }
0x50: {  	_ =	shalt  }
0x51: {  	_ =	shalt  }
0x52: {  	_ =	shalt  }
0x53: {  	_ =	shalt  }
0x54: {  	_ =	shalt  }
0x55: {  	_ =	shalt  }
0x56: {  	_ =	shalt  }
0x57: {  	_ =	shalt  }
0x58: {  	_ =	shalt  }
0x59: {  	_ =	shalt  }
0x5a: {  	_ =	shalt  }
0x5b: {  	_ =	shalt  }
0x5c: {  	_ =	shalt  }
0x5d: {  	_ =	shalt  }
0x5e: {  	_ =	shalt  }
0x5f: {  	_ =	shalt  }
0x60: {  	_ =	shalt  }
0x61: {  	_ =	shalt  }
0x62: {  	_ =	shalt  }
0x63: {  	_ =	shalt  }
0x64: {  	_ =	shalt  }
0x65: {  	_ =	shalt  }
0x66: {  	_ =	shalt  }
0x67: {  	_ =	shalt  }
0x68: {  	_ =	shalt  }
0x69: {  	_ =	shalt  }
0x6a: {  	_ =	shalt  }
0x6b: {  	_ =	shalt  }
0x6c: {  	_ =	shalt  }
0x6d: {  	_ =	shalt  }
0x6e: {  	_ =	shalt  }
0x6f: {  	_ =	shalt  }
0x70: {  	_ =	shalt  }
0x71: {  	_ =	shalt  }
0x72: {  	_ =	shalt  }
0x73: {  	_ =	shalt  }
0x74: {  	_ =	shalt  }
0x75: {  	_ =	shalt  }
0x76: {  	_ =	shalt  }
0x77: {  	_ =	shalt  }
0x78: {  	_ =	shalt  }
0x79: {  	_ =	shalt  }
0x7a: {  	_ =	shalt  }
0x7b: {  	_ =	shalt  }
0x7c: {  	_ =	shalt  }
0x7d: {  	_ =	shalt  }
0x7e: {  	_ =	shalt  }
0x7f: {  	_ =	shalt  }
0x80: {  	_ =	shalt  }
0x81: {  	_ =	shalt  }
0x82: {  	_ =	shalt  }
0x83: {  	_ =	shalt  }
0x84: {  	_ =	shalt  }
0x85: {  	_ =	shalt  }
0x86: {  	_ =	shalt  }
0x87: {  	_ =	shalt  }
.Lfunc_end0:
.L_simem_size_0:
called_computation_lowered:
.L_overlay_start_0:
0x88: {  	s2 =	sld [smem:$0x3FD9]  }
0x89: {  	s3 =	sld [smem:$0x3FFE];
	_ =	sdelay $0x1  }
0x8a: {  	s1 =	srdreg.scid  }
0x8b: {  	s0 =	sand.u32 $0x1, s1  }
0x8c: {  	s17 =	sshll.u32 s0, $0xA;
	s2 =	sadd.s32 s3, s2  }
0x8d: {  	s2 =	sadd.s32 s2, s17  }
0x8e: {  	[smem:$0x3FC6] =	sst s2  }
0x8f: {  	_ = 	snop  }
0x90: {  	s2 =	sld [smem:$0x3FC9]  }
0x91: {  	s18 =	sld [smem:$0x3FD0];
	(tm) =	ssettm $0x1  }
0x92: {  	s4 =	sld [smem:$0x3FFB];
	_ =	sdelay $0x3  }
0x93: {  	_ =	strace s4  }
0x94: {  	s4 =	sld [smem:$0x3FFC];
	_ =	sdelay $0x3  }
0x95: {  	_ =	strace s4  }
0x96: {  	s4 =	sld [smem:$0x3FFD];
	_ =	sdelay $0x3  }
0x97: {  	_ =	strace s4  }
0x98: {  	_ =	strace $0x8FFFFFFF  }
0x99: {  	s19 =	sld [smem:$0x3FDB];
	_ =	sdelay $0x1  }
0x9a: {  	s5 =	simm.s32 $_scs_section_size  }
0x9b: {  	s6 =	simm.s32 $_size__tile_overlayer_lowered;
	s7 =	simm.s32 $_tile_overlayer_lowered  }
0x9c: {  	s22 =	simm.s32 $0x1BFF;
	s21 =	sshll.u32 s7, $0x1;
	s4 =	sadd.s32 s5, s19  }
0x9d: {  	s8 =	simm.s32 $0x0;
	s20 =	sshll.u32 s6, $0x1;
	s6 =	sadd.s32 s21, s4  }
0x9e: {  	[timem:s8], [sflag:s22] =	dma.local [hbm:s6], s20  }
0x9f: {  	_ =	swait.ge [sflag:s22], s20  }
0xa0: {  	s5 =	ssub.s32 $0x0, s20;
	[sflag:s22] =	ssyncset.done $0x0  }
0xa1: {  	[sflag:s22] =	ssyncadd.s32 s5;
	_ =	sdelay $0x1  }
0xa2: {  	s23 =	simm.s32 $0x1B8B  }
0xa3: {  	_ =	swait.ge [sflag:s23], $0x1  }
0xa4: {  	[sflag:s23] =	ssyncset.done $0x0  }
0xa5: {  	s25 =	simm.s32 $0x1B8E;
	s24 =	sld [smem:$0x3FFE];
	[sflag:s23] =	ssyncadd.s32 $0xFFFFFFFF  }
0xa6: {  	s26 =	simm.s32 $execute0_lowered;
	[smem:$0x3FD2] =	sst s25  }
0xa7: {  	s6 =	sshll.u32 s26, $0x1;
	_ =	strace $0x80000046;
	[dreg:$0x1] =	wrdreg $0xFFFFFFFF  }
0xa8: {  	s28 =	simm.s32 $_size_execute0_lowered;
	s4 =	sadd.s32 s4, s6;
	[dreg:$0x0] =	wrdreg $0x0  }
0xa9: {  	s6 =	sshll.u32 s28, $0x1;
	[dreg:$0x2] =	wrdreg s4  }
0xaa: {  	[dreg:$0x3] =	wrdreg s6  }
0xab: {  	[dreg:$0x4] =	wrdreg $0xC0  }
0xac: {  	_ =	task [dreg:s8], $0x5FFFF  }
0xad: {  	[dreg:$0x1] =	wrdreg $0xFFFFFFFF  }
0xae: {  	[dreg:$0x0] =	wrdreg $0x60  }
0xaf: {  	[dreg:$0x2] =	wrdreg s2  }
0xb0: {  	[dreg:$0x3] =	wrdreg s24  }
0xb1: {  	[dreg:$0x4] =	wrdreg s18  }
0xb2: {  	[dreg:$0x5] =	wrdreg $0x9  }
0xb3: {  	_ =	task.clear_ibuf [dreg:s8], $0x6FFFF;
	_ =	strace $0x90000046  }
0xb4: {  	s29 =	simm.s32 $0x9;
	_ =	strace $0x80000048  }
0xb5: {  	_ =	swait.ge [sflag:s29], $0x1  }
0xb6: {  	[sflag:s29] =	ssyncadd.s32 $0xFFFFFFFF  }
0xb7: {  	_ =	strace $0x90000048  }
0xb8: {  	_ =	sfence  }
0xb9: {  	s30 =	sld [smem:$0x0];
	_ =	sdelay $0x2  }
0xba: {  	s31 =	sshll.u32 s1, $0xD;
	s1 =	sshrl.u32 s1, $0x2  }
0xbb: {  	s3 =	sand.u32 $0x4000, s31;
	s1 =	sadd.s32 s1, s30  }
0xbc: {  	s0 =	sor.u32 s3, s0;
	s1 =	sshll.u32 s1, $0x11  }
0xbd: {  	s0 =	sor.u32 s1, s0  }
0xbe: {  	s0 =	sadd.s32 $0x8F2B, s0  }
0xbf: {  	[sflag:s0] =	ssyncadd.remote.s32 $0x1  }
0xc0: {  	_ =	sfence.sel $0xFFFF  }
0xc1: {  	[dreg:$0x0] =	wrdreg $0xFFFFFFFF;
	(pc) =	sbr.abs _section_cstart, $3  }
0xc2: {  	[dreg:$0x1] =	wrdreg $0xFFFFFFFF  }
0xc3: {  	_ =	task.clear_ibuf [dreg:s8], $0x2FFFF;
	_ =	strace $0x9FFFFFFF  }
0xc4: {  	(tm) =	ssettm $0x7FFFFFFF  }
0xc5: {  	_ =	shalt  }
tec
execute0_lowered:
.L_overlay_start_1:
0x0: {  	(tag) =	ssettag $0x1  }
0x1: {  	s0 =	rddreg [dreg:$0x0]  }
0x2: {  	s1 =	rddreg [dreg:$0x1]  }
0x3: {  	s2 =	rddreg [dreg:$0x2]  }
0x4: {  	s3 =	srdreg.scid;
	s4 =	stileid.u32  }
0x5: {  	s9 =	simm.s32 $0x17400;
	s11 =	simm.s32 $0x400;
	s14 =	simm.s32 $0x8400  }
0x6: {  	s16 =	simm.s32 $0xC8000;
	s5 =	sand.u32 $0x1, s3;
	s3 =	simm.s32 $0x0  }
0x7: {  	s4 =	sshll.u32 s4, $0xB;
	s1 =	sadd.s32 $0x400, s1;
	s6 =	sshll.u32 s5, $0xA  }
0x8: {  	[smem:$0x7FF] =	sst s3;
	s5 =	ssub.s32 $0x2, s5;
	s4 =	sor.u32 s6, s4  }
0x9: {  	_ =	strace $0x80000047;
	s29 =	sshrl.u32 s5, $0x1;
	s6 =	sshrl.u32 s4, $0x3  }
0xa: {  	[dreg:$0x4] =	wrdreg s1;
	s1 =	ssub.s32 s5, s29;
	s0 =	sadd.s32 s0, s6  }
0xb: {  	v0 =	vlaneseq.u32;
	s7 =	sadd.s32 s6, s2;
	s31 =	smax.u32 s1, $0x1;
	[dreg:$0x5] =	wrdreg s0  }
0xc: {  	v1 =	vimm.f32 $0.0e+00;
	v2 =	vimm.s32 $0x0;
	s17 =	simm.s32 $0x2;
	v3 =	vshrl.u32 v0, $0x3;
	s30 =	sadd.s32 $0x18000, s7;
	[dreg:$0x7] =	wrdreg s31  }
0xd: {  	v5 =	vimm.f32 $1.000000000e+00;
	s18 =	simm.s32 $0x3;
	v4 =	vand.u32 $0x7, v0;
	v3 =	vmul.u32 $0x8, v3;
	s1 =	simm.s32 $0x0;
	[dreg:$0x6] =	wrdreg s30  }
.LBB2_1:
0xe: {  	[dreg:$0x8] =	wrdreg s1  }
0xf: {  	s0 =	rddreg [dreg:$0x4]  }
0x10: {  	s24 =	simm.s32 $0x30;
	s25 =	simm.s32 $0x20;
	s26 =	simm.s32 $0x4  }
0x11: {  	[tilespmem:s9], [sflag:$0x4] =	stream.linear.gather [hbm4b:s0+s3], $0x30, $0x38;
	v6 =	vor.u32 s24, v0;
	[tilespmem:$0x17430] =	vst v63  }
0x12: {  	s29 =	simm.s32 $0x8000;
	v9 =	vor.u32 s25, v0;
	_ =	swait.ge [sflag:s26], $0x30  }
0x13: {  	s5 =	simm.s32 $0x10800;
	s30 =	simm.s32 $0x0;
	[sflag:s26] =	ssyncset.done $0x0  }
0x14: {  	s31 =	simm.s32 $0x10;
	v8 =	vor.u32 s30, v0;
	s28 =	rddreg [dreg:$0x5];
	[sflag:s26] =	ssyncadd.s32 $0xFFFFFFD0  }
0x15: {  	[tilespmem:s5], [sflag:$0x1] =	stream.strided.gather [hbm4b:s28+s11], $0x6400, s29, s11, $0x38;
	[tilespmem:$0x17430] =	vst v63  }
0x16: {  	v7 =	vor.u32 s31, v0;
	[tilespmem:v6+s3+$0x0] =	vst.idx.msk $0xffff, v1  }
0x17: {  	[tilespmem:v9+s3+$0x0] =	vst.idx.msk $0xffff, v1  }
0x18: {  	s1 =	simm.s32 $0x70;
	s0 =	simm.s32 $0x0;
	[tilespmem:v9+s14+$0x0] =	vst.idx.msk $0xffff, v1  }
.LBB2_2:
0x19: {  	s5 =	sadd.s32 $0xFFFFFFD0, s1;
	s6 =	sadd.s32 $0xFFFFFFE0, s1;
	s7 =	sadd.s32 $0xFFFFFFF0, s1;
	v9 =	vor.u32 s1, v0;
	[tilespmem:v8+s3+$0x0] =	vst.idx.msk $0xffff, v1  }
0x1a: {  	s0 =	sadd.s32 $0x4, s0;
	v10 =	vor.u32 s6, v0;
	v11 =	vor.u32 s7, v0;
	[tilespmem:v8+s14+$0x0] =	vst.idx.msk $0xffff, v1;
	v8 =	vor.u32 s5, v0  }
0x1b: {  	p0 =	slt.u32 s0, $0x83C;
	[tilespmem:v7+s3+$0x0] =	vst.idx.msk $0xffff, v1  }
.Ltmp0:
0x1c: {  	[tilespmem:v7+s14+$0x0] =	vst.idx.msk $0xffff, v1;
	v7 =	vmov v10;
	(pc) =	sbr.rel @p0 .LBB2_2-.Ltmp0, $4  }
0x1d: {  	[tilespmem:v6+s14+$0x0] =	vst.idx.msk $0xffff, v1;
	v6 =	vmov v9  }
0x1e: {  	[tilespmem:v9+s3+$0x0] =	vst.idx.msk $0xffff, v1  }
0x1f: {  	[tilespmem:v11+s3+$0x0] =	vst.idx.msk $0xffff, v1  }
0x20: {  	s1 =	sadd.s32 $0x40, s1;
	[tilespmem:v11+s14+$0x0] =	vst.idx.msk $0xffff, v1  }
0x21: {  	_ =	sdelay $0x3  }
0x22: {  	[tilespmem:v8+s3+$0x0] =	vst.idx.msk $0xffff, v1  }
0x23: {  	[tilespmem:v7+s3+$0x0] =	vst.idx.msk $0xffff, v1  }
0x24: {  	[tilespmem:v6+s14+$0x0] =	vst.idx.msk $0xffff, v1  }
0x25: {  	[tilespmem:v8+s14+$0x0] =	vst.idx.msk $0xffff, v1  }
0x26: {  	s0 =	simm.s32 $0x1;
	[tilespmem:v7+s14+$0x0] =	vst.idx.msk $0xffff, v1  }
0x27: {  	_ =	swait.ge [sflag:s0], $0x6400  }
0x28: {  	[sflag:s0] =	ssyncset.done $0x0  }
0x29: {  	s20 =	simm.s32 $0x0;
	[sflag:s0] =	ssyncadd.s32 $0xFFFF9C00  }
.LBB2_4:
0x2a: {  	p0 =	seq.s32 s20, $0x0  }
.Ltmp1:
0x2b: {  	_ = 	snop;
	(pc) =	sbr.rel @p0 .LBB2_8-.Ltmp1, $1  }
0x2c: {  	_ =	sdelay $0x3  }
0x2d: {  	_ =	swait.ge [sflag:s17], $0x8400  }
0x2e: {  	[sflag:s17] =	ssyncset.done $0x0  }
0x2f: {  	s0 =	simm.s32 $0x16C20;
	[sflag:s17] =	ssyncadd.s32 $0xFFFF7C00  }
0x30: {  	v6 =	vld [tilespmem:s0+$0xFFFFFFE0]  }
0x31: {  	v7 =	vld [tilespmem:s0+$0x10]  }
0x32: {  	v8 =	vld [tilespmem:s0+$0xFFFFFFF0]  }
0x33: {  	v9 =	vld [tilespmem:s0+$0x0]  }
0x34: {  	s19 =	simm.s32 $0x16C60  }
0x35: {  	v10 =	vld [tilespmem:s19+$0xFFFFFFE0]  }
0x36: {  	s1 =	simm.s32 $0x30;
	s5 =	simm.s32 $0x0;
	s6 =	simm.s32 $0x10;
	v11 =	vld [tilespmem:s19+$0x10]  }
0x37: {  	s7 =	simm.s32 $0x20;
	s8 =	simm.s32 $0x0;
	s6 =	sand.u32 $0x50, s6;
	v12 =	vld [tilespmem:s19+$0xFFFFFFF0];
	v6 =	vshll.u32 v6, $0xA;
	v8 =	vshll.u32 v8, $0xA  }
0x38: {  	s1 =	sand.u32 $0x70, s1;
	s5 =	sand.u32 $0xFFFFFF80, s5;
	s21 =	sand.u32 $0x60, s7;
	v13 =	vld [tilespmem:s19+$0x0];
	v7 =	vshll.u32 v7, $0xA;
	v9 =	vshll.u32 v9, $0xA;
	v8 =	vor.u32 s6, v8  }
0x39: {  	s22 =	sand.u32 $0x40, s8;
	v7 =	vor.u32 s1, v7;
	v9 =	vor.u32 s21, v9;
	v8 =	vadd.s32 s5, v8  }
0x3a: {  	v6 =	vor.u32 s22, v6;
	v7 =	vadd.s32 s5, v7;
	v8 =	vor.u32 v0, v8  }
0x3b: {  	s23 =	simm.s32 $0x16CA0;
	v9 =	vadd.s32 s5, v9;
	v6 =	vadd.s32 s5, v6;
	v14 =	vor.u32 v0, v7  }
0x3c: {  	s24 =	simm.s32 $0x40;
	s25 =	simm.s32 $0x70;
	s26 =	simm.s32 $0x50;
	v15 =	vld [tilespmem:s23+$0xFFFFFFE0];
	v7 =	vshll.u32 v10, $0xA;
	v6 =	vor.u32 v4, v6;
	v16 =	vor.u32 v0, v9  }
0x3d: {  	s28 =	simm.s32 $0x60;
	s1 =	sand.u32 $0x70, s25;
	s5 =	sand.u32 $0x50, s26;
	v9 =	vshll.u32 v11, $0xA;
	v10 =	vshll.u32 v12, $0xA;
	v12 =	vshll.u32 v13, $0xA  }
0x3e: {  	s29 =	simm.s32 $0x40;
	s12 =	sand.u32 $0xFFFFFF80, s24;
	s30 =	sand.u32 $0x60, s28;
	v11 =	vld [tilespmem:s23+$0x10];
	v6 =	vor.u32 v3, v6;
	v10 =	vor.u32 s5, v10;
	v9 =	vor.u32 s1, v9  }
0x3f: {  	s31 =	sand.u32 $0x40, s29;
	s0 =	simm.s32 $0xB0;
	v12 =	vor.u32 s30, v12;
	v13 =	vadd.s32 s12, v10;
	v17 =	vadd.s32 s12, v9;
	v10 =	vld [tilespmem:s23+$0xFFFFFFF0];
	[tilespmem:v8+s3+$0x0] =	vst.idx.msk $0xffff, v1  }
0x40: {  	s7 =	sand.u32 $0x70, s0;
	v8 =	vor.u32 s31, v7;
	v7 =	vor.u32 v0, v13;
	v13 =	vadd.s32 s12, v12;
	[tilespmem:v14+s3+$0x0] =	vst.idx.msk $0xffff, v1;
	v12 =	vld [tilespmem:s23+$0x0]  }
0x41: {  	s6 =	simm.s32 $0x16CE0;
	s1 =	simm.s32 $0x8;
	s5 =	simm.s32 $0x80;
	v9 =	vshll.u32 v15, $0xA;
	[tilespmem:v16+s3+$0x0] =	vst.idx.msk $0xffff, v1;
	v14 =	vadd.s32 s12, v8;
	v8 =	vor.u32 v0, v17  }
.LBB2_6:
0x42: {  	s1 =	sadd.s32 $0x4, s1  }
0x43: {  	v15 =	vld [tilespmem:s6+$0xFFFFFFE0];
	s8 =	sadd.s32 $0xFFFFFFE0, s0;
	s12 =	sadd.s32 $0xFFFFFFF0, s0;
	v16 =	vshll.u32 v11, $0xA;
	v14 =	vor.u32 v4, v14;
	v17 =	vor.u32 v0, v13;
	[tilespmem:v6+s3+$0x0] =	vst.idx.msk $0xffff, v1;
	p1 =	slt.u32 s1, $0x3C  }
.Ltmp2:
0x44: {  	s13 =	sshll.u32 s1, $0x4;
	v11 =	vld [tilespmem:s6+$0x10];
	s8 =	sand.u32 $0x50, s8;
	v13 =	vshll.u32 v10, $0xA;
	v6 =	vor.u32 v3, v14;
	(pc) =	sbr.rel @p1 .LBB2_6-.Ltmp2, $4  }
0x45: {  	s21 =	sadd.s32 $0xFFFFFFD0, s0;
	s22 =	sand.u32 $0xFFFFFF80, s5;
	s5 =	sand.u32 $0x60, s12;
	v16 =	vor.u32 s7, v16;
	v10 =	vld [tilespmem:s6+$0xFFFFFFF0];
	v13 =	vor.u32 s8, v13;
	v14 =	vshll.u32 v12, $0xA  }
0x46: {  	s7 =	sand.u32 $0x40, s21;
	v16 =	vadd.s32 s22, v16;
	v12 =	vld [tilespmem:s6+$0x0];
	v13 =	vadd.s32 s22, v13;
	v14 =	vor.u32 s5, v14;
	[tilespmem:v7+s3+$0x0] =	vst.idx.msk $0xffff, v1;
	s5 =	smov.u32 s13  }
0x47: {  	s0 =	sadd.s32 $0x40, s0;
	v18 =	vor.u32 s7, v9;
	v7 =	vor.u32 v0, v13;
	v13 =	vadd.s32 s22, v14;
	[tilespmem:v8+s3+$0x0] =	vst.idx.msk $0xffff, v1  }
0x48: {  	s7 =	sand.u32 $0x70, s0;
	s6 =	sadd.s32 $0x40, s6;
	v14 =	vadd.s32 s22, v18;
	v8 =	vor.u32 v0, v16;
	v9 =	vshll.u32 v15, $0xA;
	[tilespmem:v17+s3+$0x0] =	vst.idx.msk $0xffff, v1  }
0x49: {  	_ = 	snop  }
0x4a: {  	s1 =	sadd.s32 $0xFFFFFFE0, s0;
	v11 =	vshll.u32 v11, $0xA  }
0x4b: {  	v14 =	vor.u32 v4, v14;
	v13 =	vor.u32 v0, v13;
	s30 =	sadd.s32 $0xFFFFFFD0, s0;
	s1 =	sand.u32 $0x50, s1;
	v10 =	vshll.u32 v10, $0xA  }
0x4c: {  	s6 =	sadd.s32 $0xFFFFFFF0, s0;
	s5 =	sand.u32 $0xFFFFFF80, s5;
	v14 =	vor.u32 v3, v14;
	v11 =	vor.u32 s7, v11;
	s0 =	sand.u32 $0x40, s30;
	v10 =	vor.u32 s1, v10  }
0x4d: {  	[tilespmem:v6+s3+$0x0] =	vst.idx.msk $0xffff, v1;
	s31 =	sand.u32 $0x60, s6;
	v12 =	vshll.u32 v12, $0xA;
	v6 =	vadd.s32 s5, v11;
	v9 =	vor.u32 s0, v9  }
0x4e: {  	v10 =	vadd.s32 s5, v10;
	v12 =	vor.u32 s31, v12;
	v6 =	vor.u32 v0, v6  }
0x4f: {  	[tilespmem:v7+s3+$0x0] =	vst.idx.msk $0xffff, v1;
	v9 =	vadd.s32 s5, v9;
	v10 =	vor.u32 v0, v10;
	v7 =	vadd.s32 s5, v12  }
0x50: {  	[tilespmem:v8+s3+$0x0] =	vst.idx.msk $0xffff, v1;
	v63 =	vor.u32 v4, v9;
	v7 =	vor.u32 v0, v7  }
0x51: {  	[tilespmem:v13+s3+$0x0] =	vst.idx.msk $0xffff, v1;
	v8 =	vor.u32 v3, v63  }
0x52: {  	[tilespmem:v14+s3+$0x0] =	vst.idx.msk $0xffff, v1  }
0x53: {  	[tilespmem:v6+s3+$0x0] =	vst.idx.msk $0xffff, v1  }
0x54: {  	[tilespmem:v10+s3+$0x0] =	vst.idx.msk $0xffff, v1  }
0x55: {  	[tilespmem:v7+s3+$0x0] =	vst.idx.msk $0xffff, v1  }
0x56: {  	[tilespmem:v8+s3+$0x0] =	vst.idx.msk $0xffff, v1  }
.LBB2_8:
0x57: {  	s0 =	sshll.u32 s20, $0xB  }
0x58: {  	s12 =	simm.s32 $0x0;
	s0 =	sand.u32 $0x3FFFF800, s0  }
0x59: {  	s1 =	simm.s32 $0x0;
	s5 =	sand.u32 $0x3FFFFF80, s12;
	s0 =	sadd.s32 $0x10800, s0  }
0x5a: {  	s10 =	simm.s32 $0x10;
	s13 =	sand.u32 $0x40, s1;
	s8 =	sadd.s32 s5, s0  }
0x5b: {  	s7 =	simm.s32 $0x20;
	s28 =	sand.u32 $0x50, s10;
	s6 =	sadd.s32 s13, s8  }
0x5c: {  	s15 =	simm.s32 $0x30;
	s30 =	sand.u32 $0x60, s7;
	s19 =	sadd.s32 s28, s8;
	v6 =	vld [tilespmem:s6+$0x0]  }
0x5d: {  	s26 =	sand.u32 $0x70, s15;
	s7 =	sadd.s32 s30, s8;
	v13 =	vld [tilespmem:s19+$0x0]  }
0x5e: {  	s1 =	sadd.s32 s26, s8;
	v14 =	vld [tilespmem:s7+$0x0]  }
0x5f: {  	v19 =	vld [tilespmem:s1+$0x0];
	_ =	sdelay $0x2  }
0x60: {  	v7 =	vmul.f32 $3.100000000e+01, v6  }
0x61: {  	v8 =	vmul.f32 $3.100000000e+01, v13;
	v9 =	vmul.f32 $3.100000000e+01, v14  }
0x62: {  	v10 =	vmul.f32 $3.100000000e+01, v19;
	v7 =	vtrunc.f32 v7  }
0x63: {  	v8 =	vtrunc.f32 v8;
	v7 =	vcvt.f32.s32 v7  }
0x64: {  	v8 =	vcvt.f32.s32 v8  }
0x65: {  	v9 =	vtrunc.f32 v9;
	v10 =	vtrunc.f32 v10;
	v7 =	vadd.s32 $0x1, v7  }
0x66: {  	v9 =	vcvt.f32.s32 v9;
	v8 =	vadd.s32 $0x1, v8;
	vm0 =	vgt.s32 v7, $0x0  }
0x67: {  	v10 =	vcvt.f32.s32 v10;
	vm15 =	vgt.s32 v8, $0x0;
	v7 =	vnsel vm0, $0x0, v7  }
0x68: {  	v8 =	vnsel vm15, $0x0, v8;
	v15 =	vmin.u32 v7, $0x20;
	v7 =	vadd.s32 $0x1, v9  }
0x69: {  	v11 =	vadd.s32 $0x1, v10;
	v9 =	vmin.u32 v8, $0x20;
	vm1 =	vgt.s32 v7, $0x0  }
0x6a: {  	vm4 =	vgt.s32 v11, $0x0;
	v12 =	vadd.s32 $0x1, v15;
	v7 =	vnsel vm1, $0x0, v7  }
0x6b: {  	v10 =	vmin.u32 v7, $0x20;
	v7 =	vnsel vm4, $0x0, v11;
	v11 =	vadd.s32 $0x1, v9;
	_ =	sdelay $0x1  }
0x6c: {  	s25 =	simm.s32 $0x40;
	v16 =	vadd.s32 $0x1, v10;
	v8 =	vmin.u32 v7, $0x20;
	v7 =	vld.idx.msk [tilespmem:v15+s9+$0x0], $0xffff  }
0x6d: {  	s21 =	simm.s32 $0x40;
	s22 =	sand.u32 $0x3FFFFF80, s25;
	v18 =	vld.idx.msk [tilespmem:v9+s9+$0x0], $0xffff  }
0x6e: {  	s29 =	sand.u32 $0x40, s21;
	s5 =	sadd.s32 s22, s0;
	v17 =	vadd.s32 $0x1, v8;
	v12 =	vld.idx.msk [tilespmem:v12+s9+$0x0], $0xffff  }
0x6f: {  	s8 =	sadd.s32 s29, s5;
	v20 =	vld.idx.msk [tilespmem:v11+s9+$0x0], $0xffff  }
0x70: {  	v11 =	vld [tilespmem:s8+$0x0]  }
0x71: {  	s24 =	simm.s32 $0x60;
	v16 =	vld.idx.msk [tilespmem:v16+s9+$0x0], $0xffff  }
0x72: {  	s23 =	simm.s32 $0x50;
	s22 =	sand.u32 $0x60, s24;
	v27 =	vld.idx.msk [tilespmem:v8+s9+$0x0], $0xffff  }
0x73: {  	s23 =	sand.u32 $0x50, s23;
	s7 =	sadd.s32 s22, s5;
	v17 =	vld.idx.msk [tilespmem:v17+s9+$0x0], $0xffff;
	vm6 =	vgt.f32 v7, v6;
	vm5 =	vle.f32 v12, v6  }
0x74: {  	s1 =	simm.s32 $0x70;
	s6 =	sadd.s32 s23, s5;
	v7 =	vld [tilespmem:s7+$0x0];
	v21 =	vsel vm6, $0xFFFFFFFF, v2;
	v6 =	vsel vm5, $0x1, v2  }
0x75: {  	s24 =	sand.u32 $0x70, s1;
	vm7 =	vgt.f32 v18, v13;
	v12 =	vld [tilespmem:s6+$0x0];
	v21 =	vadd.s32 v6, v21  }
0x76: {  	s5 =	sadd.s32 s24, s5;
	v23 =	vsel vm7, $0xFFFFFFFF, v2;
	vm8 =	vle.f32 v20, v13;
	v21 =	vadd.s32 v15, v21  }
0x77: {  	v6 =	vld [tilespmem:s5+$0x0];
	v24 =	vsel vm8, $0x1, v2;
	vm9 =	vle.f32 v16, v14;
	v15 =	vmul.f32 $3.100000000e+01, v11  }
0x78: {  	vm15 =	vgt.f32 v27, v19;
	v13 =	vshll.u32 v21, $0xA;
	vm10 =	vle.f32 v17, v19  }
0x79: {  	v25 =	vsel vm9, $0x1, v2;
	v18 =	vmul.f32 $3.100000000e+01, v7;
	v23 =	vadd.s32 v24, v23  }
0x7a: {  	s12 =	sand.u32 $0xFFFFFF80, s12;
	v17 =	vld.idx.msk [tilespmem:v10+s9+$0x0], $0xffff;
	v13 =	vor.u32 s13, v13;
	v16 =	vmul.f32 $3.100000000e+01, v12;
	v15 =	vtrunc.f32 v15  }
0x7b: {  	v13 =	vadd.s32 s12, v13;
	v15 =	vcvt.f32.s32 v15;
	v18 =	vtrunc.f32 v18  }
0x7c: {  	v13 =	vor.u32 v4, v13;
	v20 =	vmul.f32 $3.100000000e+01, v6;
	v18 =	vcvt.f32.s32 v18  }
0x7d: {  	v26 =	vor.u32 v3, v13;
	v13 =	vtrunc.f32 v16;
	v15 =	vadd.s32 $0x1, v15  }
0x7e: {  	v16 =	vsel vm10, $0x1, v2;
	v13 =	vcvt.f32.s32 v13;
	vm11 =	vgt.s32 v15, $0x0  }
0x7f: {  	v20 =	vtrunc.f32 v20;
	vm12 =	vgt.f32 v17, v14;
	v15 =	vnsel vm11, $0x0, v15  }
0x80: {  	v20 =	vcvt.f32.s32 v20;
	v22 =	vadd.s32 $0x1, v13;
	v13 =	vmin.u32 v15, $0x20  }
0x81: {  	v14 =	vadd.s32 $0x1, v18;
	v28 =	vadd.s32 $0x1, v13;
	vm13 =	vgt.s32 v22, $0x0  }
0x82: {  	vm2 =	vgt.s32 v14, $0x0;
	v15 =	vadd.s32 $0x1, v20;
	v17 =	vnsel vm13, $0x0, v22  }
0x83: {  	v14 =	vnsel vm2, $0x0, v14;
	vm14 =	vgt.s32 v15, $0x0;
	v17 =	vmin.u32 v17, $0x20  }
0x84: {  	v14 =	vmin.u32 v14, $0x20;
	v15 =	vnsel vm14, $0x0, v15;
	v22 =	vadd.s32 $0x1, v17  }
0x85: {  	s31 =	simm.s32 $0x16C20;
	v20 =	vadd.s32 $0x1, v14;
	[tilespmem:v26+s3+$0x0] =	vst.idx.msk $0xffff, v5;
	v26 =	vsel vm12, $0xFFFFFFFF, v2;
	v15 =	vmin.u32 v15, $0x20;
	v18 =	vld.idx.msk [tilespmem:v13+s9+$0x0], $0xffff  }
0x86: {  	s21 =	sshll.u32 s20, $0x1;
	s13 =	simm.s32 $0x4;
	[tilespmem:s31+$0xFFFFFFE0] =	vst v21;
	v24 =	vadd.s32 v25, v26;
	v25 =	vsel vm15, $0xFFFFFFFF, v2;
	v19 =	vadd.s32 $0x1, v15;
	v21 =	vld.idx.msk [tilespmem:v28+s9+$0x0], $0xffff  }
.LBB2_9:
0x87: {  	s13 =	sadd.s32 $0x4, s13;
	v23 =	vadd.s32 v9, v23;
	v24 =	vadd.s32 v10, v24;
	v27 =	vadd.s32 v16, v25;
	v9 =	vmovc v17  }
0x88: {  	s1 =	sadd.s32 $0x40, s1;
	v10 =	vmovc v14;
	s5 =	sshll.u32 s13, $0x4;
	p1 =	slt.u32 s13, $0x3C;
	v16 =	vld.idx.msk [tilespmem:v17+s9+$0x0], $0xffff;
	v17 =	vshll.u32 v23, $0xA;
	v25 =	vshll.u32 v24, $0xA;
	v26 =	vadd.s32 v8, v27;
	v8 =	vmovc v15  }
0x89: {  	s6 =	sadd.s32 $0xFFFFFFD0, s1;
	s8 =	sadd.s32 $0xFFFFFFE0, s1;
	s7 =	sand.u32 $0x3FFFFF80, s5;
	v14 =	vld.idx.msk [tilespmem:v22+s9+$0x0], $0xffff;
	v15 =	vor.u32 s28, v17;
	v17 =	vor.u32 s30, v25;
	v22 =	vshll.u32 v26, $0xA  }
0x8a: {  	s6 =	sand.u32 $0x40, s6;
	s28 =	sadd.s32 $0xFFFFFFF0, s1;
	s7 =	sadd.s32 s7, s0;
	v20 =	vld.idx.msk [tilespmem:v20+s9+$0x0], $0xffff;
	v15 =	vadd.s32 s12, v15;
	v17 =	vadd.s32 s12, v17;
	v22 =	vor.u32 s26, v22  }
0x8b: {  	s8 =	sand.u32 $0x50, s8;
	s10 =	sand.u32 $0x60, s28;
	s26 =	sadd.s32 s6, s7;
	v19 =	vld.idx.msk [tilespmem:v19+s9+$0x0], $0xffff;
	v15 =	vor.u32 v0, v15;
	v17 =	vor.u32 v0, v17;
	v22 =	vadd.s32 s12, v22  }
0x8c: {  	s15 =	sand.u32 $0x70, s1;
	vm1 =	vgt.f32 v18, v11;
	s12 =	sadd.s32 s8, s7;
	s30 =	sadd.s32 s10, s7;
	vm0 =	vle.f32 v21, v11;
	v11 =	vld [tilespmem:s26+$0x0];
	v18 =	vor.u32 v0, v22  }
0x8d: {  	s28 =	smov.u32 s23;
	s23 =	smov.u32 s8;
	s7 =	sadd.s32 s15, s7;
	v25 =	vsel vm1, $0xFFFFFFFF, v2;
	v22 =	vsel vm0, $0x1, v2;
	v21 =	vld [tilespmem:s12+$0x0]  }
0x8e: {  	s26 =	smov.u32 s24;
	v22 =	vadd.s32 v22, v25;
	vm0 =	vgt.f32 v16, v12;
	v27 =	vld [tilespmem:s30+$0x0];
	s30 =	smov.u32 s22;
	s22 =	smov.u32 s10  }
0x8f: {  	s24 =	smov.u32 s15;
	v22 =	vadd.s32 v13, v22;
	vm1 =	vle.f32 v14, v12;
	v28 =	vsel vm0, $0xFFFFFFFF, v2;
	v25 =	vld [tilespmem:s7+$0x0]  }
0x90: {  	v32 =	vshll.u32 v22, $0xA;
	v29 =	vsel vm1, $0x1, v2;
	vm0 =	vle.f32 v20, v7;
	v13 =	vld.idx.msk [tilespmem:v10+s9+$0x0], $0xffff;
	[tilespmem:v15+s3+$0x0] =	vst.idx.msk $0xffff, v5  }
0x91: {  	s12 =	sand.u32 $0xFFFFFF80, s25;
	s25 =	smov.u32 s5;
	v20 =	vor.u32 s29, v32;
	vm1 =	vle.f32 v19, v6;
	s29 =	smov.u32 s6;
	v14 =	vmul.f32 $3.100000000e+01, v11;
	v30 =	vld.idx.msk [tilespmem:v8+s9+$0x0], $0xffff;
	[tilespmem:s31+$0xFFFFFFF0] =	vst v23  }
0x92: {  	v31 =	vsel vm0, $0x1, v2;
	v16 =	vadd.s32 s12, v20;
	v15 =	vmul.f32 $3.100000000e+01, v21;
	[tilespmem:v17+s3+$0x0] =	vst.idx.msk $0xffff, v5;
	v12 =	vmovc v21  }
0x93: {  	v16 =	vor.u32 v4, v16;
	v14 =	vtrunc.f32 v14;
	v17 =	vmul.f32 $3.100000000e+01, v27;
	[tilespmem:s31+$0x0] =	vst v24  }
0x94: {  	v20 =	vor.u32 v3, v16;
	v14 =	vcvt.f32.s32 v14;
	v19 =	vmul.f32 $3.100000000e+01, v25;
	[tilespmem:v18+s3+$0x0] =	vst.idx.msk $0xffff, v5  }
0x95: {  	v16 =	vsel vm1, $0x1, v2;
	v15 =	vtrunc.f32 v15;
	v17 =	vtrunc.f32 v17;
	[tilespmem:s31+$0x10] =	vst v26  }
0x96: {  	v15 =	vcvt.f32.s32 v15;
	v14 =	vadd.s32 $0x1, v14;
	v18 =	vtrunc.f32 v19  }
0x97: {  	v17 =	vcvt.f32.s32 v17;
	vm0 =	vgt.s32 v14, $0x0;
	v18 =	vcvt.f32.s32 v18  }
0x98: {  	v15 =	vadd.s32 $0x1, v15;
	v14 =	vnsel vm0, $0x0, v14;
	vm0 =	vgt.f32 v13, v7;
	v7 =	vmovc v27  }
0x99: {  	s31 =	sadd.s32 $0x40, s31;
	v13 =	vmin.u32 v14, $0x20;
	v14 =	vadd.s32 $0x1, v17;
	v18 =	vadd.s32 $0x1, v18;
	[tilespmem:v20+s3+$0x0] =	vst.idx.msk $0xffff, v5  }
0x9a: {  	vm1 =	vgt.s32 v15, $0x0;
	v21 =	vadd.s32 $0x1, v13;
	vm2 =	vgt.s32 v14, $0x0;
	[tilespmem:s31+$0xFFFFFFE0] =	vst v22  }
.Ltmp3:
0x9b: {  	v15 =	vnsel vm1, $0x0, v15;
	vm1 =	vgt.s32 v18, $0x0;
	v14 =	vnsel vm2, $0x0, v14;
	(pc) =	sbr.rel @p1 .LBB2_9-.Ltmp3, $4  }
0x9c: {  	v17 =	vmin.u32 v15, $0x20;
	v15 =	vnsel vm1, $0x0, v18;
	v14 =	vmin.u32 v14, $0x20  }
0x9d: {  	v22 =	vadd.s32 $0x1, v17;
	v15 =	vmin.u32 v15, $0x20;
	v20 =	vadd.s32 $0x1, v14  }
0x9e: {  	v24 =	vsel vm0, $0xFFFFFFFF, v2;
	vm0 =	vgt.f32 v30, v6;
	v6 =	vmovc v25;
	v19 =	vadd.s32 $0x1, v15;
	v18 =	vld.idx.msk [tilespmem:v13+s9+$0x0], $0xffff  }
0x9f: {  	v23 =	vadd.s32 v29, v28;
	v24 =	vadd.s32 v31, v24;
	v25 =	vsel vm0, $0xFFFFFFFF, v2;
	v21 =	vld.idx.msk [tilespmem:v21+s9+$0x0], $0xffff  }
0xa0: {  	_ =	sdelay $0x3  }
0xa1: {  	v39 =	vld.idx.msk [tilespmem:v17+s9+$0x0], $0xffff  }
0xa2: {  	v22 =	vld.idx.msk [tilespmem:v22+s9+$0x0], $0xffff  }
0xa3: {  	v9 =	vadd.s32 v9, v23;
	v10 =	vadd.s32 v10, v24;
	v16 =	vadd.s32 v16, v25;
	v41 =	vld.idx.msk [tilespmem:v20+s9+$0x0], $0xffff  }
0xa4: {  	v19 =	vld.idx.msk [tilespmem:v19+s9+$0x0], $0xffff;
	v23 =	vshll.u32 v9, $0xA;
	v24 =	vshll.u32 v10, $0xA;
	v8 =	vadd.s32 v8, v16  }
0xa5: {  	v47 =	vld.idx.msk [tilespmem:v14+s9+$0x0], $0xffff;
	v23 =	vor.u32 s28, v23;
	v24 =	vor.u32 s30, v24;
	v40 =	vshll.u32 v8, $0xA  }
0xa6: {  	v50 =	vld.idx.msk [tilespmem:v15+s9+$0x0], $0xffff;
	v23 =	vadd.s32 s12, v23;
	vm1 =	vgt.f32 v18, v11;
	v42 =	vadd.s32 s12, v24  }
0xa7: {  	v45 =	vor.u32 s26, v40;
	vm0 =	vle.f32 v21, v11;
	v44 =	vsel vm1, $0xFFFFFFFF, v2  }
0xa8: {  	v23 =	vor.u32 v0, v23;
	v18 =	vor.u32 v0, v42;
	v46 =	vadd.s32 s12, v45  }
0xa9: {  	v43 =	vsel vm0, $0x1, v2;
	v21 =	vor.u32 v0, v46;
	vm10 =	vgt.f32 v39, v12  }
0xaa: {  	vm11 =	vle.f32 v22, v12;
	vm12 =	vle.f32 v41, v7;
	vm13 =	vle.f32 v19, v6  }
0xab: {  	vm14 =	vgt.f32 v47, v7;
	vm15 =	vgt.f32 v50, v6;
	v20 =	vadd.s32 v43, v44  }
0xac: {  	v49 =	vsel vm10, $0xFFFFFFFF, v2;
	v51 =	vsel vm11, $0x1, v2;
	v53 =	vsel vm12, $0x1, v2  }
0xad: {  	v54 =	vsel vm13, $0x1, v2;
	v55 =	vsel vm14, $0xFFFFFFFF, v2;
	v13 =	vadd.s32 v13, v20  }
0xae: {  	v57 =	vsel vm15, $0xFFFFFFFF, v2;
	v7 =	vadd.s32 v51, v49;
	v48 =	vshll.u32 v13, $0xA  }
0xaf: {  	s0 =	sand.u32 $0xFFFFFF80, s25;
	v6 =	vadd.s32 v53, v55;
	v7 =	vadd.s32 v17, v7;
	v16 =	vor.u32 s29, v48  }
0xb0: {  	v6 =	vadd.s32 v14, v6;
	[tilespmem:v23+s3+$0x0] =	vst.idx.msk $0xffff, v5;
	v56 =	vshll.u32 v7, $0xA;
	v52 =	vadd.s32 s0, v16  }
0xb1: {  	[tilespmem:v18+s3+$0x0] =	vst.idx.msk $0xffff, v5;
	v59 =	vshll.u32 v6, $0xA;
	v58 =	vor.u32 s23, v56;
	v11 =	vor.u32 v4, v52  }
0xb2: {  	[tilespmem:s31+$0xFFFFFFF0] =	vst v9;
	v60 =	vor.u32 s22, v59;
	v14 =	vadd.s32 s0, v58;
	v11 =	vor.u32 v3, v11  }
0xb3: {  	v9 =	vadd.s32 v54, v57;
	[tilespmem:s31+$0x0] =	vst v10;
	v10 =	vadd.s32 s0, v60;
	v61 =	vor.u32 v0, v14  }
0xb4: {  	v9 =	vadd.s32 v15, v9;
	v10 =	vor.u32 v0, v10  }
0xb5: {  	[tilespmem:v21+s3+$0x0] =	vst.idx.msk $0xffff, v5;
	v62 =	vshll.u32 v9, $0xA  }
0xb6: {  	[tilespmem:s31+$0x10] =	vst v8;
	v63 =	vor.u32 s24, v62  }
0xb7: {  	v8 =	vadd.s32 s0, v63;
	[tilespmem:v11+s3+$0x0] =	vst.idx.msk $0xffff, v5  }
0xb8: {  	v8 =	vor.u32 v0, v8;
	[tilespmem:v61+s3+$0x0] =	vst.idx.msk $0xffff, v5  }
0xb9: {  	s1 =	sadd.s32 $0x40, s31;
	[tilespmem:v10+s3+$0x0] =	vst.idx.msk $0xffff, v5  }
0xba: {  	[tilespmem:s1+$0xFFFFFFE0] =	vst v13  }
.Ltmp4:
0xbb: {  	s31 =	sshll.u32 s20, $0x10;
	[tilespmem:s1+$0xFFFFFFF0] =	vst v7;
	(pc) =	sbr.rel @p0 .LBB2_14-.Ltmp4, $4  }
0xbc: {  	s0 =	sor.u32 s4, s31;
	[tilespmem:s1+$0x0] =	vst v6  }
0xbd: {  	s0 =	sshrl.u32 s0, $0x3;
	[tilespmem:v8+s3+$0x0] =	vst.idx.msk $0xffff, v5  }
0xbe: {  	s0 =	sadd.s32 s2, s0;
	[tilespmem:s1+$0x10] =	vst v9  }
0xbf: {  	[hbm4b:s0+s11] =	stream.strided.scatter [tilespmem:s3], [sflag:$0x2], $0x8400, s16, s11, $0x38;
	[tilespmem:$0x17430] =	vst v63  }
0xc0: {  	_ =	swait.ge [sflag:s18], $0x8400  }
0xc1: {  	[sflag:s18] =	ssyncset.done $0x0  }
0xc2: {  	s0 =	simm.s32 $0x17020;
	[sflag:s18] =	ssyncadd.s32 $0xFFFF7C00  }
0xc3: {  	v6 =	vld [tilespmem:s0+$0xFFFFFFE0]  }
0xc4: {  	v7 =	vld [tilespmem:s0+$0x10]  }
0xc5: {  	v8 =	vld [tilespmem:s0+$0xFFFFFFF0]  }
0xc6: {  	v9 =	vld [tilespmem:s0+$0x0]  }
0xc7: {  	s15 =	simm.s32 $0x17060  }
0xc8: {  	v10 =	vld [tilespmem:s15+$0xFFFFFFE0]  }
0xc9: {  	s1 =	simm.s32 $0x30;
	s5 =	simm.s32 $0x0;
	s6 =	simm.s32 $0x10;
	v11 =	vld [tilespmem:s15+$0x10]  }
0xca: {  	s7 =	simm.s32 $0x20;
	s8 =	simm.s32 $0x0;
	s6 =	sand.u32 $0x50, s6;
	v12 =	vld [tilespmem:s15+$0xFFFFFFF0];
	v6 =	vshll.u32 v6, $0xA;
	v8 =	vshll.u32 v8, $0xA  }
0xcb: {  	s1 =	sand.u32 $0x70, s1;
	s5 =	sand.u32 $0xFFFFFF80, s5;
	s19 =	sand.u32 $0x60, s7;
	v13 =	vld [tilespmem:s15+$0x0];
	v7 =	vshll.u32 v7, $0xA;
	v9 =	vshll.u32 v9, $0xA;
	v8 =	vor.u32 s6, v8  }
0xcc: {  	s22 =	sand.u32 $0x40, s8;
	v7 =	vor.u32 s1, v7;
	v9 =	vor.u32 s19, v9;
	v8 =	vadd.s32 s5, v8  }
0xcd: {  	v6 =	vor.u32 s22, v6;
	v7 =	vadd.s32 s5, v7;
	v8 =	vor.u32 v0, v8  }
0xce: {  	s23 =	simm.s32 $0x170A0;
	v9 =	vadd.s32 s5, v9;
	v6 =	vadd.s32 s5, v6;
	v14 =	vor.u32 v0, v7  }
0xcf: {  	s24 =	simm.s32 $0x40;
	s25 =	simm.s32 $0x70;
	s26 =	simm.s32 $0x50;
	v15 =	vld [tilespmem:s23+$0xFFFFFFE0];
	v7 =	vshll.u32 v10, $0xA;
	v6 =	vor.u32 v4, v6;
	v16 =	vor.u32 v0, v9  }
0xd0: {  	s28 =	simm.s32 $0x60;
	s1 =	sand.u32 $0x70, s25;
	s5 =	sand.u32 $0x50, s26;
	v9 =	vshll.u32 v11, $0xA;
	v10 =	vshll.u32 v12, $0xA;
	v12 =	vshll.u32 v13, $0xA  }
0xd1: {  	s29 =	simm.s32 $0x40;
	s10 =	sand.u32 $0xFFFFFF80, s24;
	s30 =	sand.u32 $0x60, s28;
	v11 =	vld [tilespmem:s23+$0x10];
	v6 =	vor.u32 v3, v6;
	v10 =	vor.u32 s5, v10;
	v9 =	vor.u32 s1, v9  }
0xd2: {  	s31 =	sand.u32 $0x40, s29;
	s0 =	simm.s32 $0xB0;
	v12 =	vor.u32 s30, v12;
	v13 =	vadd.s32 s10, v10;
	v17 =	vadd.s32 s10, v9;
	v10 =	vld [tilespmem:s23+$0xFFFFFFF0];
	[tilespmem:v8+s14+$0x0] =	vst.idx.msk $0xffff, v1  }
0xd3: {  	s7 =	sand.u32 $0x70, s0;
	v8 =	vor.u32 s31, v7;
	v7 =	vor.u32 v0, v13;
	v13 =	vadd.s32 s10, v12;
	[tilespmem:v14+s14+$0x0] =	vst.idx.msk $0xffff, v1;
	v12 =	vld [tilespmem:s23+$0x0]  }
0xd4: {  	s6 =	simm.s32 $0x170E0;
	s1 =	simm.s32 $0x8;
	s5 =	simm.s32 $0x80;
	v9 =	vshll.u32 v15, $0xA;
	[tilespmem:v16+s14+$0x0] =	vst.idx.msk $0xffff, v1;
	v14 =	vadd.s32 s10, v8;
	v8 =	vor.u32 v0, v17  }
.LBB2_12:
0xd5: {  	s1 =	sadd.s32 $0x4, s1  }
0xd6: {  	v15 =	vld [tilespmem:s6+$0xFFFFFFE0];
	s8 =	sadd.s32 $0xFFFFFFE0, s0;
	s10 =	sadd.s32 $0xFFFFFFF0, s0;
	v16 =	vshll.u32 v11, $0xA;
	v14 =	vor.u32 v4, v14;
	v17 =	vor.u32 v0, v13;
	[tilespmem:v6+s14+$0x0] =	vst.idx.msk $0xffff, v1;
	p0 =	slt.u32 s1, $0x3C  }
.Ltmp5:
0xd7: {  	s12 =	sshll.u32 s1, $0x4;
	v11 =	vld [tilespmem:s6+$0x10];
	s8 =	sand.u32 $0x50, s8;
	v13 =	vshll.u32 v10, $0xA;
	v6 =	vor.u32 v3, v14;
	(pc) =	sbr.rel @p0 .LBB2_12-.Ltmp5, $4  }
0xd8: {  	s13 =	sadd.s32 $0xFFFFFFD0, s0;
	s15 =	sand.u32 $0xFFFFFF80, s5;
	s5 =	sand.u32 $0x60, s10;
	v16 =	vor.u32 s7, v16;
	v10 =	vld [tilespmem:s6+$0xFFFFFFF0];
	v13 =	vor.u32 s8, v13;
	v14 =	vshll.u32 v12, $0xA  }
0xd9: {  	s7 =	sand.u32 $0x40, s13;
	v16 =	vadd.s32 s15, v16;
	v12 =	vld [tilespmem:s6+$0x0];
	v13 =	vadd.s32 s15, v13;
	v14 =	vor.u32 s5, v14;
	[tilespmem:v7+s14+$0x0] =	vst.idx.msk $0xffff, v1;
	s5 =	smov.u32 s12  }
0xda: {  	s0 =	sadd.s32 $0x40, s0;
	v18 =	vor.u32 s7, v9;
	v7 =	vor.u32 v0, v13;
	v13 =	vadd.s32 s15, v14;
	[tilespmem:v8+s14+$0x0] =	vst.idx.msk $0xffff, v1  }
0xdb: {  	s7 =	sand.u32 $0x70, s0;
	s6 =	sadd.s32 $0x40, s6;
	v14 =	vadd.s32 s15, v18;
	v8 =	vor.u32 v0, v16;
	v9 =	vshll.u32 v15, $0xA;
	[tilespmem:v17+s14+$0x0] =	vst.idx.msk $0xffff, v1  }
0xdc: {  	_ = 	snop  }
0xdd: {  	s1 =	sadd.s32 $0xFFFFFFE0, s0;
	v11 =	vshll.u32 v11, $0xA  }
0xde: {  	v14 =	vor.u32 v4, v14;
	v13 =	vor.u32 v0, v13;
	s30 =	sadd.s32 $0xFFFFFFD0, s0;
	s1 =	sand.u32 $0x50, s1;
	v10 =	vshll.u32 v10, $0xA  }
0xdf: {  	s6 =	sadd.s32 $0xFFFFFFF0, s0;
	s5 =	sand.u32 $0xFFFFFF80, s5;
	v14 =	vor.u32 v3, v14;
	v11 =	vor.u32 s7, v11;
	s0 =	sand.u32 $0x40, s30;
	v10 =	vor.u32 s1, v10  }
0xe0: {  	[tilespmem:v6+s14+$0x0] =	vst.idx.msk $0xffff, v1;
	s31 =	sand.u32 $0x60, s6;
	v12 =	vshll.u32 v12, $0xA;
	v6 =	vadd.s32 s5, v11;
	v9 =	vor.u32 s0, v9  }
0xe1: {  	v10 =	vadd.s32 s5, v10;
	v12 =	vor.u32 s31, v12;
	v6 =	vor.u32 v0, v6  }
0xe2: {  	[tilespmem:v7+s14+$0x0] =	vst.idx.msk $0xffff, v1;
	v9 =	vadd.s32 s5, v9;
	v10 =	vor.u32 v0, v10;
	v7 =	vadd.s32 s5, v12  }
0xe3: {  	[tilespmem:v8+s14+$0x0] =	vst.idx.msk $0xffff, v1;
	v63 =	vor.u32 v4, v9;
	v7 =	vor.u32 v0, v7  }
0xe4: {  	[tilespmem:v13+s14+$0x0] =	vst.idx.msk $0xffff, v1;
	v8 =	vor.u32 v3, v63  }
0xe5: {  	[tilespmem:v14+s14+$0x0] =	vst.idx.msk $0xffff, v1  }
0xe6: {  	[tilespmem:v6+s14+$0x0] =	vst.idx.msk $0xffff, v1  }
0xe7: {  	[tilespmem:v10+s14+$0x0] =	vst.idx.msk $0xffff, v1  }
0xe8: {  	[tilespmem:v7+s14+$0x0] =	vst.idx.msk $0xffff, v1  }
0xe9: {  	[tilespmem:v8+s14+$0x0] =	vst.idx.msk $0xffff, v1  }
.LBB2_14:
0xea: {  	s21 =	sor.u32 $0x1, s21  }
0xeb: {  	s0 =	sshll.u32 s21, $0xA  }
0xec: {  	s12 =	simm.s32 $0x0;
	s0 =	sand.u32 $0x3FFFFC00, s0  }
0xed: {  	s1 =	simm.s32 $0x0;
	s5 =	sand.u32 $0x3FFFFF80, s12;
	s0 =	sadd.s32 $0x10800, s0  }
0xee: {  	s8 =	simm.s32 $0x10;
	s13 =	sand.u32 $0x40, s1;
	s25 =	sadd.s32 s5, s0  }
0xef: {  	s7 =	simm.s32 $0x20;
	s28 =	sand.u32 $0x50, s8;
	s6 =	sadd.s32 s13, s25  }
0xf0: {  	s10 =	simm.s32 $0x30;
	s30 =	sand.u32 $0x60, s7;
	s15 =	sadd.s32 s28, s25;
	v6 =	vld [tilespmem:s6+$0x0]  }
0xf1: {  	s26 =	sand.u32 $0x70, s10;
	s7 =	sadd.s32 s30, s25;
	v13 =	vld [tilespmem:s15+$0x0]  }
0xf2: {  	s1 =	sadd.s32 s26, s25;
	v14 =	vld [tilespmem:s7+$0x0]  }
0xf3: {  	v19 =	vld [tilespmem:s1+$0x0];
	_ =	sdelay $0x2  }
0xf4: {  	v7 =	vmul.f32 $3.100000000e+01, v6  }
0xf5: {  	v8 =	vmul.f32 $3.100000000e+01, v13;
	v9 =	vmul.f32 $3.100000000e+01, v14  }
0xf6: {  	v10 =	vmul.f32 $3.100000000e+01, v19;
	v7 =	vtrunc.f32 v7  }
0xf7: {  	v8 =	vtrunc.f32 v8;
	v7 =	vcvt.f32.s32 v7  }
0xf8: {  	v8 =	vcvt.f32.s32 v8  }
0xf9: {  	v9 =	vtrunc.f32 v9;
	v10 =	vtrunc.f32 v10;
	v7 =	vadd.s32 $0x1, v7  }
0xfa: {  	v9 =	vcvt.f32.s32 v9;
	v8 =	vadd.s32 $0x1, v8;
	vm0 =	vgt.s32 v7, $0x0  }
0xfb: {  	v10 =	vcvt.f32.s32 v10;
	vm15 =	vgt.s32 v8, $0x0;
	v7 =	vnsel vm0, $0x0, v7  }
0xfc: {  	v8 =	vnsel vm15, $0x0, v8;
	v15 =	vmin.u32 v7, $0x20;
	v7 =	vadd.s32 $0x1, v9  }
0xfd: {  	v11 =	vadd.s32 $0x1, v10;
	v9 =	vmin.u32 v8, $0x20;
	vm1 =	vgt.s32 v7, $0x0  }
0xfe: {  	vm4 =	vgt.s32 v11, $0x0;
	v12 =	vadd.s32 $0x1, v15;
	v7 =	vnsel vm1, $0x0, v7  }
0xff: {  	v10 =	vmin.u32 v7, $0x20;
	v7 =	vnsel vm4, $0x0, v11;
	v11 =	vadd.s32 $0x1, v9;
	_ =	sdelay $0x1  }
0x100: {  	s25 =	simm.s32 $0x40;
	v16 =	vadd.s32 $0x1, v10;
	v8 =	vmin.u32 v7, $0x20;
	v7 =	vld.idx.msk [tilespmem:v15+s9+$0x0], $0xffff  }
0x101: {  	s19 =	simm.s32 $0x40;
	s22 =	sand.u32 $0x3FFFFF80, s25;
	v18 =	vld.idx.msk [tilespmem:v9+s9+$0x0], $0xffff  }
0x102: {  	s29 =	sand.u32 $0x40, s19;
	s5 =	sadd.s32 s22, s0;
	v17 =	vadd.s32 $0x1, v8;
	v12 =	vld.idx.msk [tilespmem:v12+s9+$0x0], $0xffff  }
0x103: {  	s8 =	sadd.s32 s29, s5;
	v20 =	vld.idx.msk [tilespmem:v11+s9+$0x0], $0xffff  }
0x104: {  	v11 =	vld [tilespmem:s8+$0x0]  }
0x105: {  	s24 =	simm.s32 $0x60;
	v16 =	vld.idx.msk [tilespmem:v16+s9+$0x0], $0xffff  }
0x106: {  	s23 =	simm.s32 $0x50;
	s22 =	sand.u32 $0x60, s24;
	v27 =	vld.idx.msk [tilespmem:v8+s9+$0x0], $0xffff  }
0x107: {  	s23 =	sand.u32 $0x50, s23;
	s7 =	sadd.s32 s22, s5;
	v17 =	vld.idx.msk [tilespmem:v17+s9+$0x0], $0xffff;
	vm6 =	vgt.f32 v7, v6;
	vm5 =	vle.f32 v12, v6  }
0x108: {  	s1 =	simm.s32 $0x70;
	s6 =	sadd.s32 s23, s5;
	v7 =	vld [tilespmem:s7+$0x0];
	v21 =	vsel vm6, $0xFFFFFFFF, v2;
	v6 =	vsel vm5, $0x1, v2  }
0x109: {  	s24 =	sand.u32 $0x70, s1;
	vm7 =	vgt.f32 v18, v13;
	v12 =	vld [tilespmem:s6+$0x0];
	v21 =	vadd.s32 v6, v21  }
0x10a: {  	s5 =	sadd.s32 s24, s5;
	v23 =	vsel vm7, $0xFFFFFFFF, v2;
	vm8 =	vle.f32 v20, v13;
	v21 =	vadd.s32 v15, v21  }
0x10b: {  	v6 =	vld [tilespmem:s5+$0x0];
	v24 =	vsel vm8, $0x1, v2;
	vm9 =	vle.f32 v16, v14;
	v15 =	vmul.f32 $3.100000000e+01, v11  }
0x10c: {  	vm15 =	vgt.f32 v27, v19;
	v13 =	vshll.u32 v21, $0xA;
	vm10 =	vle.f32 v17, v19  }
0x10d: {  	v25 =	vsel vm9, $0x1, v2;
	v18 =	vmul.f32 $3.100000000e+01, v7;
	v23 =	vadd.s32 v24, v23  }
0x10e: {  	s12 =	sand.u32 $0xFFFFFF80, s12;
	v17 =	vld.idx.msk [tilespmem:v10+s9+$0x0], $0xffff;
	v13 =	vor.u32 s13, v13;
	v16 =	vmul.f32 $3.100000000e+01, v12;
	v15 =	vtrunc.f32 v15  }
0x10f: {  	v13 =	vadd.s32 s12, v13;
	v15 =	vcvt.f32.s32 v15;
	v18 =	vtrunc.f32 v18  }
0x110: {  	v13 =	vor.u32 v4, v13;
	v20 =	vmul.f32 $3.100000000e+01, v6;
	v18 =	vcvt.f32.s32 v18  }
0x111: {  	v26 =	vor.u32 v3, v13;
	v13 =	vtrunc.f32 v16;
	v15 =	vadd.s32 $0x1, v15  }
0x112: {  	v16 =	vsel vm10, $0x1, v2;
	v13 =	vcvt.f32.s32 v13;
	vm11 =	vgt.s32 v15, $0x0  }
0x113: {  	v20 =	vtrunc.f32 v20;
	vm12 =	vgt.f32 v17, v14;
	v15 =	vnsel vm11, $0x0, v15  }
0x114: {  	v20 =	vcvt.f32.s32 v20;
	v22 =	vadd.s32 $0x1, v13;
	v13 =	vmin.u32 v15, $0x20  }
0x115: {  	v14 =	vadd.s32 $0x1, v18;
	v28 =	vadd.s32 $0x1, v13;
	vm13 =	vgt.s32 v22, $0x0  }
0x116: {  	vm2 =	vgt.s32 v14, $0x0;
	v15 =	vadd.s32 $0x1, v20;
	v17 =	vnsel vm13, $0x0, v22  }
0x117: {  	v14 =	vnsel vm2, $0x0, v14;
	vm14 =	vgt.s32 v15, $0x0;
	v17 =	vmin.u32 v17, $0x20  }
0x118: {  	v14 =	vmin.u32 v14, $0x20;
	v15 =	vnsel vm14, $0x0, v15;
	v22 =	vadd.s32 $0x1, v17  }
0x119: {  	s31 =	simm.s32 $0x17020;
	v20 =	vadd.s32 $0x1, v14;
	[tilespmem:v26+s14+$0x0] =	vst.idx.msk $0xffff, v5;
	v26 =	vsel vm12, $0xFFFFFFFF, v2;
	v15 =	vmin.u32 v15, $0x20;
	v18 =	vld.idx.msk [tilespmem:v13+s9+$0x0], $0xffff  }
0x11a: {  	s13 =	simm.s32 $0x4;
	[tilespmem:s31+$0xFFFFFFE0] =	vst v21;
	v24 =	vadd.s32 v25, v26;
	v25 =	vsel vm15, $0xFFFFFFFF, v2;
	v19 =	vadd.s32 $0x1, v15;
	v21 =	vld.idx.msk [tilespmem:v28+s9+$0x0], $0xffff  }
.LBB2_15:
0x11b: {  	s13 =	sadd.s32 $0x4, s13;
	v23 =	vadd.s32 v9, v23;
	v24 =	vadd.s32 v10, v24;
	v27 =	vadd.s32 v16, v25;
	v9 =	vmovc v17  }
0x11c: {  	s1 =	sadd.s32 $0x40, s1;
	v10 =	vmovc v14;
	s5 =	sshll.u32 s13, $0x4;
	p0 =	slt.u32 s13, $0x3C;
	v16 =	vld.idx.msk [tilespmem:v17+s9+$0x0], $0xffff;
	v17 =	vshll.u32 v23, $0xA;
	v25 =	vshll.u32 v24, $0xA;
	v26 =	vadd.s32 v8, v27;
	v8 =	vmovc v15  }
0x11d: {  	s6 =	sadd.s32 $0xFFFFFFD0, s1;
	s8 =	sadd.s32 $0xFFFFFFE0, s1;
	s7 =	sand.u32 $0x3FFFFF80, s5;
	v14 =	vld.idx.msk [tilespmem:v22+s9+$0x0], $0xffff;
	v15 =	vor.u32 s28, v17;
	v17 =	vor.u32 s30, v25;
	v22 =	vshll.u32 v26, $0xA  }
0x11e: {  	s10 =	sadd.s32 $0xFFFFFFF0, s1;
	s6 =	sand.u32 $0x40, s6;
	s7 =	sadd.s32 s7, s0;
	v20 =	vld.idx.msk [tilespmem:v20+s9+$0x0], $0xffff;
	v15 =	vadd.s32 s12, v15;
	v17 =	vadd.s32 s12, v17;
	v22 =	vor.u32 s26, v22  }
0x11f: {  	s8 =	sand.u32 $0x50, s8;
	s10 =	sand.u32 $0x60, s10;
	s15 =	sadd.s32 s6, s7;
	v19 =	vld.idx.msk [tilespmem:v19+s9+$0x0], $0xffff;
	v15 =	vor.u32 v0, v15;
	v17 =	vor.u32 v0, v17;
	v22 =	vadd.s32 s12, v22  }
0x120: {  	s19 =	sand.u32 $0x70, s1;
	vm1 =	vgt.f32 v18, v11;
	s12 =	sadd.s32 s8, s7;
	s26 =	sadd.s32 s10, s7;
	vm0 =	vle.f32 v21, v11;
	v11 =	vld [tilespmem:s15+$0x0];
	v18 =	vor.u32 v0, v22  }
0x121: {  	s28 =	smov.u32 s23;
	s23 =	smov.u32 s8;
	s7 =	sadd.s32 s19, s7;
	v25 =	vsel vm1, $0xFFFFFFFF, v2;
	v22 =	vsel vm0, $0x1, v2;
	v21 =	vld [tilespmem:s12+$0x0]  }
0x122: {  	s30 =	smov.u32 s22;
	s22 =	smov.u32 s10;
	v22 =	vadd.s32 v22, v25;
	vm0 =	vgt.f32 v16, v12;
	v27 =	vld [tilespmem:s26+$0x0];
	s26 =	smov.u32 s24  }
0x123: {  	v22 =	vadd.s32 v13, v22;
	vm1 =	vle.f32 v14, v12;
	v28 =	vsel vm0, $0xFFFFFFFF, v2;
	s24 =	smov.u32 s19;
	v25 =	vld [tilespmem:s7+$0x0]  }
0x124: {  	v32 =	vshll.u32 v22, $0xA;
	v29 =	vsel vm1, $0x1, v2;
	vm0 =	vle.f32 v20, v7;
	v13 =	vld.idx.msk [tilespmem:v10+s9+$0x0], $0xffff;
	[tilespmem:v15+s14+$0x0] =	vst.idx.msk $0xffff, v5  }
0x125: {  	s12 =	sand.u32 $0xFFFFFF80, s25;
	s25 =	smov.u32 s5;
	v20 =	vor.u32 s29, v32;
	vm1 =	vle.f32 v19, v6;
	s29 =	smov.u32 s6;
	v14 =	vmul.f32 $3.100000000e+01, v11;
	v30 =	vld.idx.msk [tilespmem:v8+s9+$0x0], $0xffff;
	[tilespmem:s31+$0xFFFFFFF0] =	vst v23  }
0x126: {  	v31 =	vsel vm0, $0x1, v2;
	v16 =	vadd.s32 s12, v20;
	v15 =	vmul.f32 $3.100000000e+01, v21;
	[tilespmem:v17+s14+$0x0] =	vst.idx.msk $0xffff, v5;
	v12 =	vmovc v21  }
0x127: {  	v16 =	vor.u32 v4, v16;
	v14 =	vtrunc.f32 v14;
	v17 =	vmul.f32 $3.100000000e+01, v27;
	[tilespmem:s31+$0x0] =	vst v24  }
0x128: {  	v20 =	vor.u32 v3, v16;
	v14 =	vcvt.f32.s32 v14;
	v19 =	vmul.f32 $3.100000000e+01, v25;
	[tilespmem:v18+s14+$0x0] =	vst.idx.msk $0xffff, v5  }
0x129: {  	v16 =	vsel vm1, $0x1, v2;
	v15 =	vtrunc.f32 v15;
	v17 =	vtrunc.f32 v17;
	[tilespmem:s31+$0x10] =	vst v26  }
0x12a: {  	v15 =	vcvt.f32.s32 v15;
	v14 =	vadd.s32 $0x1, v14;
	v18 =	vtrunc.f32 v19  }
0x12b: {  	v17 =	vcvt.f32.s32 v17;
	vm0 =	vgt.s32 v14, $0x0;
	v18 =	vcvt.f32.s32 v18  }
0x12c: {  	v15 =	vadd.s32 $0x1, v15;
	v14 =	vnsel vm0, $0x0, v14;
	vm0 =	vgt.f32 v13, v7;
	v7 =	vmovc v27  }
0x12d: {  	s31 =	sadd.s32 $0x40, s31;
	v13 =	vmin.u32 v14, $0x20;
	v14 =	vadd.s32 $0x1, v17;
	v18 =	vadd.s32 $0x1, v18;
	[tilespmem:v20+s14+$0x0] =	vst.idx.msk $0xffff, v5  }
0x12e: {  	vm1 =	vgt.s32 v15, $0x0;
	v21 =	vadd.s32 $0x1, v13;
	vm2 =	vgt.s32 v14, $0x0;
	[tilespmem:s31+$0xFFFFFFE0] =	vst v22  }
.Ltmp6:
0x12f: {  	v15 =	vnsel vm1, $0x0, v15;
	vm1 =	vgt.s32 v18, $0x0;
	v14 =	vnsel vm2, $0x0, v14;
	(pc) =	sbr.rel @p0 .LBB2_15-.Ltmp6, $4  }
0x130: {  	v17 =	vmin.u32 v15, $0x20;
	v15 =	vnsel vm1, $0x0, v18;
	v14 =	vmin.u32 v14, $0x20  }
0x131: {  	v22 =	vadd.s32 $0x1, v17;
	v15 =	vmin.u32 v15, $0x20;
	v20 =	vadd.s32 $0x1, v14  }
0x132: {  	v24 =	vsel vm0, $0xFFFFFFFF, v2;
	vm0 =	vgt.f32 v30, v6;
	v6 =	vmovc v25;
	v19 =	vadd.s32 $0x1, v15;
	v18 =	vld.idx.msk [tilespmem:v13+s9+$0x0], $0xffff  }
0x133: {  	v23 =	vadd.s32 v29, v28;
	v24 =	vadd.s32 v31, v24;
	v25 =	vsel vm0, $0xFFFFFFFF, v2;
	v21 =	vld.idx.msk [tilespmem:v21+s9+$0x0], $0xffff  }
0x134: {  	_ =	sdelay $0x3  }
0x135: {  	v39 =	vld.idx.msk [tilespmem:v17+s9+$0x0], $0xffff  }
0x136: {  	v22 =	vld.idx.msk [tilespmem:v22+s9+$0x0], $0xffff  }
0x137: {  	v9 =	vadd.s32 v9, v23;
	v10 =	vadd.s32 v10, v24;
	v16 =	vadd.s32 v16, v25;
	v41 =	vld.idx.msk [tilespmem:v20+s9+$0x0], $0xffff  }
0x138: {  	v19 =	vld.idx.msk [tilespmem:v19+s9+$0x0], $0xffff;
	v23 =	vshll.u32 v9, $0xA;
	v24 =	vshll.u32 v10, $0xA;
	v8 =	vadd.s32 v8, v16  }
0x139: {  	v47 =	vld.idx.msk [tilespmem:v14+s9+$0x0], $0xffff;
	v23 =	vor.u32 s28, v23;
	v24 =	vor.u32 s30, v24;
	v40 =	vshll.u32 v8, $0xA  }
0x13a: {  	v50 =	vld.idx.msk [tilespmem:v15+s9+$0x0], $0xffff;
	v23 =	vadd.s32 s12, v23;
	vm1 =	vgt.f32 v18, v11;
	v42 =	vadd.s32 s12, v24  }
0x13b: {  	v45 =	vor.u32 s26, v40;
	vm0 =	vle.f32 v21, v11;
	v44 =	vsel vm1, $0xFFFFFFFF, v2  }
0x13c: {  	v23 =	vor.u32 v0, v23;
	v18 =	vor.u32 v0, v42;
	v46 =	vadd.s32 s12, v45  }
0x13d: {  	v43 =	vsel vm0, $0x1, v2;
	v21 =	vor.u32 v0, v46;
	vm10 =	vgt.f32 v39, v12  }
0x13e: {  	vm11 =	vle.f32 v22, v12;
	vm12 =	vle.f32 v41, v7;
	vm13 =	vle.f32 v19, v6  }
0x13f: {  	vm14 =	vgt.f32 v47, v7;
	vm15 =	vgt.f32 v50, v6;
	v20 =	vadd.s32 v43, v44  }
0x140: {  	v49 =	vsel vm10, $0xFFFFFFFF, v2;
	v51 =	vsel vm11, $0x1, v2;
	v53 =	vsel vm12, $0x1, v2  }
0x141: {  	v54 =	vsel vm13, $0x1, v2;
	v55 =	vsel vm14, $0xFFFFFFFF, v2;
	v13 =	vadd.s32 v13, v20  }
0x142: {  	v57 =	vsel vm15, $0xFFFFFFFF, v2;
	v7 =	vadd.s32 v51, v49;
	v48 =	vshll.u32 v13, $0xA  }
0x143: {  	s0 =	sand.u32 $0xFFFFFF80, s25;
	v6 =	vadd.s32 v53, v55;
	v7 =	vadd.s32 v17, v7;
	v16 =	vor.u32 s29, v48  }
0x144: {  	v6 =	vadd.s32 v14, v6;
	[tilespmem:v23+s14+$0x0] =	vst.idx.msk $0xffff, v5;
	v56 =	vshll.u32 v7, $0xA;
	v52 =	vadd.s32 s0, v16  }
0x145: {  	[tilespmem:v18+s14+$0x0] =	vst.idx.msk $0xffff, v5;
	v59 =	vshll.u32 v6, $0xA;
	v58 =	vor.u32 s23, v56;
	v11 =	vor.u32 v4, v52  }
0x146: {  	[tilespmem:s31+$0xFFFFFFF0] =	vst v9;
	v60 =	vor.u32 s22, v59;
	v14 =	vadd.s32 s0, v58;
	v11 =	vor.u32 v3, v11  }
0x147: {  	v9 =	vadd.s32 v54, v57;
	[tilespmem:s31+$0x0] =	vst v10;
	v10 =	vadd.s32 s0, v60;
	v61 =	vor.u32 v0, v14  }
0x148: {  	v9 =	vadd.s32 v15, v9;
	v10 =	vor.u32 v0, v10  }
0x149: {  	[tilespmem:v21+s14+$0x0] =	vst.idx.msk $0xffff, v5;
	v62 =	vshll.u32 v9, $0xA  }
0x14a: {  	[tilespmem:s31+$0x10] =	vst v8;
	v63 =	vor.u32 s24, v62  }
0x14b: {  	v8 =	vadd.s32 s0, v63;
	[tilespmem:v11+s14+$0x0] =	vst.idx.msk $0xffff, v5  }
0x14c: {  	v8 =	vor.u32 v0, v8;
	[tilespmem:v61+s14+$0x0] =	vst.idx.msk $0xffff, v5  }
0x14d: {  	s1 =	sadd.s32 $0x40, s31;
	s20 =	sadd.s32 $0x1, s20;
	[tilespmem:v10+s14+$0x0] =	vst.idx.msk $0xffff, v5  }
0x14e: {  	p0 =	sne.s32 s20, $0xC;
	[tilespmem:s1+$0xFFFFFFE0] =	vst v13  }
.Ltmp7:
0x14f: {  	s31 =	sshll.u32 s21, $0xF;
	[tilespmem:s1+$0xFFFFFFF0] =	vst v7;
	(pc) =	sbr.rel @p0 .LBB2_4-.Ltmp7, $4  }
0x150: {  	s0 =	sor.u32 s4, s31;
	[tilespmem:s1+$0x0] =	vst v6  }
0x151: {  	s0 =	sshrl.u32 s0, $0x3;
	[tilespmem:v8+s14+$0x0] =	vst.idx.msk $0xffff, v5  }
0x152: {  	s0 =	sadd.s32 s2, s0;
	[tilespmem:s1+$0x10] =	vst v9  }
0x153: {  	[hbm4b:s0+s11] =	stream.strided.scatter [tilespmem:s14], [sflag:$0x3], $0x8400, s16, s11, $0x38;
	[tilespmem:$0x17430] =	vst v63  }
0x154: {  	_ =	swait.ge [sflag:s17], $0x8400  }
0x155: {  	[sflag:s17] =	ssyncset.done $0x0  }
0x156: {  	s20 =	simm.s32 $0x16C20;
	[sflag:s17] =	ssyncadd.s32 $0xFFFF7C00  }
0x157: {  	v6 =	vld [tilespmem:s20+$0xFFFFFFE0]  }
0x158: {  	v7 =	vld [tilespmem:s20+$0x10]  }
0x159: {  	v8 =	vld [tilespmem:s20+$0xFFFFFFF0]  }
0x15a: {  	v9 =	vld [tilespmem:s20+$0x0]  }
0x15b: {  	s0 =	simm.s32 $0x16C60  }
0x15c: {  	v10 =	vld [tilespmem:s0+$0xFFFFFFE0]  }
0x15d: {  	s1 =	simm.s32 $0x30;
	s6 =	simm.s32 $0x0;
	s5 =	simm.s32 $0x10;
	v11 =	vld [tilespmem:s0+$0x10]  }
0x15e: {  	s12 =	simm.s32 $0x20;
	s13 =	simm.s32 $0x0;
	s30 =	sand.u32 $0x50, s5;
	v12 =	vld [tilespmem:s0+$0xFFFFFFF0];
	v6 =	vshll.u32 v6, $0xA;
	v8 =	vshll.u32 v8, $0xA  }
0x15f: {  	s25 =	sand.u32 $0x70, s1;
	s28 =	sand.u32 $0xFFFFFF80, s6;
	s31 =	sand.u32 $0x60, s12;
	v13 =	vld [tilespmem:s0+$0x0];
	v7 =	vshll.u32 v7, $0xA;
	v9 =	vshll.u32 v9, $0xA;
	v8 =	vor.u32 s30, v8  }
0x160: {  	s15 =	sand.u32 $0x40, s13;
	v7 =	vor.u32 s25, v7;
	v9 =	vor.u32 s31, v9;
	v8 =	vadd.s32 s28, v8  }
0x161: {  	v6 =	vor.u32 s15, v6;
	v7 =	vadd.s32 s28, v7;
	v8 =	vor.u32 v0, v8  }
0x162: {  	s7 =	simm.s32 $0x16CA0;
	[dreg:$0x9] =	wrdreg s15;
	v9 =	vadd.s32 s28, v9;
	v6 =	vadd.s32 s28, v6;
	v14 =	vor.u32 v0, v7  }
0x163: {  	s24 =	simm.s32 $0x40;
	s29 =	simm.s32 $0x70;
	s19 =	simm.s32 $0x50;
	v15 =	vld [tilespmem:s7+$0xFFFFFFE0];
	v7 =	vshll.u32 v10, $0xA;
	v6 =	vor.u32 v4, v6;
	v16 =	vor.u32 v0, v9  }
0x164: {  	s22 =	simm.s32 $0x60;
	s21 =	sand.u32 $0x70, s29;
	s23 =	sand.u32 $0x50, s19;
	v9 =	vshll.u32 v11, $0xA;
	v10 =	vshll.u32 v12, $0xA;
	v12 =	vshll.u32 v13, $0xA  }
0x165: {  	s26 =	simm.s32 $0x40;
	s10 =	sand.u32 $0xFFFFFF80, s24;
	s22 =	sand.u32 $0x60, s22;
	v6 =	vor.u32 v3, v6;
	v11 =	vor.u32 s23, v10;
	v9 =	vor.u32 s21, v9;
	v10 =	vld [tilespmem:s7+$0x10]  }
0x166: {  	s26 =	sand.u32 $0x40, s26;
	v12 =	vor.u32 s22, v12;
	v13 =	vadd.s32 s10, v11;
	v17 =	vadd.s32 s10, v9;
	v11 =	vld [tilespmem:s7+$0xFFFFFFF0];
	[tilespmem:v8+s3+$0x0] =	vst.idx.msk $0xffff, v1  }
0x167: {  	s13 =	simm.s32 $0x8;
	s5 =	simm.s32 $0xB0;
	s6 =	simm.s32 $0x80;
	v8 =	vor.u32 s26, v7;
	v7 =	vor.u32 v0, v13;
	v13 =	vadd.s32 s10, v12;
	[tilespmem:v14+s3+$0x0] =	vst.idx.msk $0xffff, v1;
	v12 =	vld [tilespmem:s7+$0x0]  }
0x168: {  	s8 =	sand.u32 $0x70, s5;
	s0 =	simm.s32 $0x4;
	v9 =	vshll.u32 v15, $0xA;
	s7 =	simm.s32 $0x16CE0;
	[tilespmem:v16+s3+$0x0] =	vst.idx.msk $0xffff, v1;
	v14 =	vadd.s32 s10, v8;
	v8 =	vor.u32 v0, v17  }
.LBB2_18:
0x169: {  	s13 =	sadd.s32 $0x4, s13  }
0x16a: {  	v15 =	vld [tilespmem:s7+$0xFFFFFFE0];
	s10 =	sadd.s32 $0xFFFFFFE0, s5;
	s15 =	sadd.s32 $0xFFFFFFF0, s5;
	v16 =	vshll.u32 v10, $0xA;
	v14 =	vor.u32 v4, v14;
	v17 =	vor.u32 v0, v13;
	[tilespmem:v6+s3+$0x0] =	vst.idx.msk $0xffff, v1;
	p0 =	slt.u32 s13, $0x3C  }
.Ltmp8:
0x16b: {  	s19 =	sshll.u32 s13, $0x4;
	v10 =	vld [tilespmem:s7+$0x10];
	s10 =	sand.u32 $0x50, s10;
	v13 =	vshll.u32 v11, $0xA;
	v6 =	vor.u32 v3, v14;
	(pc) =	sbr.rel @p0 .LBB2_18-.Ltmp8, $4  }
0x16c: {  	s12 =	sadd.s32 $0xFFFFFFD0, s5;
	s1 =	sand.u32 $0xFFFFFF80, s6;
	s6 =	sand.u32 $0x60, s15;
	v16 =	vor.u32 s8, v16;
	v11 =	vld [tilespmem:s7+$0xFFFFFFF0];
	v13 =	vor.u32 s10, v13;
	v14 =	vshll.u32 v12, $0xA  }
0x16d: {  	s8 =	sand.u32 $0x40, s12;
	v16 =	vadd.s32 s1, v16;
	v12 =	vld [tilespmem:s7+$0x0];
	v13 =	vadd.s32 s1, v13;
	v14 =	vor.u32 s6, v14;
	[tilespmem:v7+s3+$0x0] =	vst.idx.msk $0xffff, v1;
	s6 =	smov.u32 s19  }
0x16e: {  	s5 =	sadd.s32 $0x40, s5;
	v18 =	vor.u32 s8, v9;
	v7 =	vor.u32 v0, v13;
	v13 =	vadd.s32 s1, v14;
	[tilespmem:v8+s3+$0x0] =	vst.idx.msk $0xffff, v1  }
0x16f: {  	s8 =	sand.u32 $0x70, s5;
	s7 =	sadd.s32 $0x40, s7;
	v14 =	vadd.s32 s1, v18;
	v8 =	vor.u32 v0, v16;
	v9 =	vshll.u32 v15, $0xA;
	[tilespmem:v17+s3+$0x0] =	vst.idx.msk $0xffff, v1  }
0x170: {  	_ = 	snop  }
0x171: {  	s1 =	sadd.s32 $0xFFFFFFE0, s5;
	v10 =	vshll.u32 v10, $0xA  }
0x172: {  	v14 =	vor.u32 v4, v14;
	v13 =	vor.u32 v0, v13;
	s15 =	sadd.s32 $0xFFFFFFD0, s5;
	s1 =	sand.u32 $0x50, s1;
	v11 =	vshll.u32 v11, $0xA  }
0x173: {  	s7 =	sadd.s32 $0xFFFFFFF0, s5;
	s6 =	sand.u32 $0xFFFFFF80, s6;
	v14 =	vor.u32 v3, v14;
	v10 =	vor.u32 s8, v10;
	s5 =	sand.u32 $0x40, s15;
	v11 =	vor.u32 s1, v11  }
0x174: {  	[tilespmem:v6+s3+$0x0] =	vst.idx.msk $0xffff, v1;
	s19 =	sand.u32 $0x60, s7;
	v12 =	vshll.u32 v12, $0xA;
	v6 =	vadd.s32 s6, v10;
	v9 =	vor.u32 s5, v9  }
0x175: {  	v11 =	vadd.s32 s6, v11;
	v12 =	vor.u32 s19, v12;
	v6 =	vor.u32 v0, v6  }
0x176: {  	[tilespmem:v7+s3+$0x0] =	vst.idx.msk $0xffff, v1;
	v9 =	vadd.s32 s6, v9;
	v10 =	vor.u32 v0, v11;
	v7 =	vadd.s32 s6, v12  }
0x177: {  	[tilespmem:v8+s3+$0x0] =	vst.idx.msk $0xffff, v1;
	v8 =	vor.u32 v4, v9;
	v7 =	vor.u32 v0, v7  }
0x178: {  	[tilespmem:v13+s3+$0x0] =	vst.idx.msk $0xffff, v1;
	v8 =	vor.u32 v3, v8  }
0x179: {  	[tilespmem:v14+s3+$0x0] =	vst.idx.msk $0xffff, v1  }
0x17a: {  	[tilespmem:v6+s3+$0x0] =	vst.idx.msk $0xffff, v1  }
0x17b: {  	s5 =	simm.s32 $0x0;
	[tilespmem:v10+s3+$0x0] =	vst.idx.msk $0xffff, v1  }
0x17c: {  	s1 =	sand.u32 $0x3FFFFF80, s5;
	[tilespmem:v7+s3+$0x0] =	vst.idx.msk $0xffff, v1  }
0x17d: {  	s1 =	sadd.s32 $0x16800, s1;
	[tilespmem:v8+s3+$0x0] =	vst.idx.msk $0xffff, v1  }
0x17e: {  	s8 =	sor.u32 s30, s1;
	s7 =	rddreg [dreg:$0x9]  }
0x17f: {  	v13 =	vld [tilespmem:s8+$0x0];
	s6 =	sor.u32 s7, s1  }
0x180: {  	s10 =	sor.u32 s31, s1;
	v6 =	vld [tilespmem:s6+$0x0]  }
0x181: {  	v14 =	vld [tilespmem:s10+$0x0];
	s1 =	sor.u32 s25, s1  }
0x182: {  	v19 =	vld [tilespmem:s1+$0x0];
	_ =	sdelay $0x2  }
0x183: {  	v7 =	vmul.f32 $3.100000000e+01, v6  }
0x184: {  	v8 =	vmul.f32 $3.100000000e+01, v13;
	v9 =	vmul.f32 $3.100000000e+01, v14  }
0x185: {  	v10 =	vmul.f32 $3.100000000e+01, v19;
	v7 =	vtrunc.f32 v7  }
0x186: {  	v8 =	vtrunc.f32 v8;
	v7 =	vcvt.f32.s32 v7  }
0x187: {  	v9 =	vtrunc.f32 v9;
	v8 =	vcvt.f32.s32 v8  }
0x188: {  	v9 =	vcvt.f32.s32 v9;
	v7 =	vadd.s32 $0x1, v7  }
0x189: {  	v10 =	vtrunc.f32 v10;
	v8 =	vadd.s32 $0x1, v8;
	vm0 =	vgt.s32 v7, $0x0  }
0x18a: {  	v10 =	vcvt.f32.s32 v10;
	vm15 =	vgt.s32 v8, $0x0;
	v7 =	vnsel vm0, $0x0, v7  }
0x18b: {  	v8 =	vnsel vm15, $0x0, v8;
	v15 =	vmin.u32 v7, $0x20;
	v7 =	vadd.s32 $0x1, v9  }
0x18c: {  	v10 =	vadd.s32 $0x1, v10;
	v9 =	vmin.u32 v8, $0x20;
	vm1 =	vgt.s32 v7, $0x0  }
0x18d: {  	vm4 =	vgt.s32 v10, $0x0;
	v12 =	vadd.s32 $0x1, v15;
	v7 =	vnsel vm1, $0x0, v7  }
0x18e: {  	v11 =	vmin.u32 v7, $0x20;
	v7 =	vnsel vm4, $0x0, v10;
	v10 =	vadd.s32 $0x1, v9;
	_ =	sdelay $0x1  }
0x18f: {  	v16 =	vadd.s32 $0x1, v11;
	v8 =	vmin.u32 v7, $0x20;
	v7 =	vld.idx.msk [tilespmem:v15+s9+$0x0], $0xffff  }
0x190: {  	s12 =	sand.u32 $0x3FFFFF80, s24;
	v18 =	vld.idx.msk [tilespmem:v9+s9+$0x0], $0xffff  }
0x191: {  	s1 =	sadd.s32 $0x16800, s12;
	v17 =	vadd.s32 $0x1, v8;
	v12 =	vld.idx.msk [tilespmem:v12+s9+$0x0], $0xffff  }
0x192: {  	s13 =	sor.u32 s26, s1;
	v20 =	vld.idx.msk [tilespmem:v10+s9+$0x0], $0xffff  }
0x193: {  	v10 =	vld [tilespmem:s13+$0x0]  }
0x194: {  	v16 =	vld.idx.msk [tilespmem:v16+s9+$0x0], $0xffff  }
0x195: {  	v27 =	vld.idx.msk [tilespmem:v8+s9+$0x0], $0xffff  }
0x196: {  	s19 =	sor.u32 s22, s1;
	v17 =	vld.idx.msk [tilespmem:v17+s9+$0x0], $0xffff;
	vm6 =	vgt.f32 v7, v6;
	vm5 =	vle.f32 v12, v6  }
0x197: {  	s15 =	sor.u32 s23, s1;
	v7 =	vld [tilespmem:s19+$0x0];
	v21 =	vsel vm6, $0xFFFFFFFF, v2;
	v6 =	vsel vm5, $0x1, v2  }
0x198: {  	vm7 =	vgt.f32 v18, v13;
	v12 =	vld [tilespmem:s15+$0x0];
	v21 =	vadd.s32 v6, v21  }
0x199: {  	s1 =	sor.u32 s21, s1;
	v23 =	vsel vm7, $0xFFFFFFFF, v2;
	vm8 =	vle.f32 v20, v13;
	v21 =	vadd.s32 v15, v21  }
0x19a: {  	v6 =	vld [tilespmem:s1+$0x0];
	v24 =	vsel vm8, $0x1, v2;
	vm9 =	vle.f32 v16, v14;
	v15 =	vmul.f32 $3.100000000e+01, v10  }
0x19b: {  	vm15 =	vgt.f32 v27, v19;
	v13 =	vshll.u32 v21, $0xA;
	vm10 =	vle.f32 v17, v19  }
0x19c: {  	v25 =	vsel vm9, $0x1, v2;
	v18 =	vmul.f32 $3.100000000e+01, v7;
	v23 =	vadd.s32 v24, v23  }
0x19d: {  	v17 =	vld.idx.msk [tilespmem:v11+s9+$0x0], $0xffff;
	v13 =	vor.u32 s7, v13;
	v16 =	vmul.f32 $3.100000000e+01, v12;
	v15 =	vtrunc.f32 v15  }
0x19e: {  	v13 =	vadd.s32 s28, v13;
	v15 =	vcvt.f32.s32 v15;
	v18 =	vtrunc.f32 v18  }
0x19f: {  	v13 =	vor.u32 v4, v13;
	v20 =	vmul.f32 $3.100000000e+01, v6;
	v18 =	vcvt.f32.s32 v18  }
0x1a0: {  	v26 =	vor.u32 v3, v13;
	v13 =	vtrunc.f32 v16;
	v15 =	vadd.s32 $0x1, v15  }
0x1a1: {  	v16 =	vsel vm10, $0x1, v2;
	v13 =	vcvt.f32.s32 v13;
	vm11 =	vgt.s32 v15, $0x0  }
0x1a2: {  	v20 =	vtrunc.f32 v20;
	vm12 =	vgt.f32 v17, v14;
	v15 =	vnsel vm11, $0x0, v15  }
0x1a3: {  	v20 =	vcvt.f32.s32 v20;
	v22 =	vadd.s32 $0x1, v13;
	v13 =	vmin.u32 v15, $0x20  }
0x1a4: {  	v14 =	vadd.s32 $0x1, v18;
	v28 =	vadd.s32 $0x1, v13;
	vm13 =	vgt.s32 v22, $0x0  }
0x1a5: {  	vm2 =	vgt.s32 v14, $0x0;
	v15 =	vadd.s32 $0x1, v20;
	v17 =	vnsel vm13, $0x0, v22  }
0x1a6: {  	v14 =	vnsel vm2, $0x0, v14;
	vm14 =	vgt.s32 v15, $0x0;
	v17 =	vmin.u32 v17, $0x20  }
0x1a7: {  	v14 =	vmin.u32 v14, $0x20;
	v15 =	vnsel vm14, $0x0, v15;
	v22 =	vadd.s32 $0x1, v17  }
0x1a8: {  	v20 =	vadd.s32 $0x1, v14;
	[tilespmem:v26+s3+$0x0] =	vst.idx.msk $0xffff, v5;
	v26 =	vsel vm12, $0xFFFFFFFF, v2;
	v15 =	vmin.u32 v15, $0x20;
	v18 =	vld.idx.msk [tilespmem:v13+s9+$0x0], $0xffff  }
0x1a9: {  	[tilespmem:s20+$0xFFFFFFE0] =	vst v21;
	v24 =	vadd.s32 v25, v26;
	v25 =	vsel vm15, $0xFFFFFFFF, v2;
	v19 =	vadd.s32 $0x1, v15;
	v21 =	vld.idx.msk [tilespmem:v28+s9+$0x0], $0xffff  }
.LBB2_20:
0x1aa: {  	s0 =	sadd.s32 $0x4, s0;
	v23 =	vadd.s32 v9, v23;
	v24 =	vadd.s32 v11, v24;
	v27 =	vadd.s32 v16, v25;
	v9 =	vmovc v17  }
0x1ab: {  	s29 =	sadd.s32 $0x40, s29;
	v11 =	vmovc v14;
	s1 =	sshll.u32 s0, $0x4;
	p0 =	slt.u32 s0, $0x3C;
	v16 =	vld.idx.msk [tilespmem:v17+s9+$0x0], $0xffff;
	v17 =	vshll.u32 v23, $0xA;
	v25 =	vshll.u32 v24, $0xA;
	v26 =	vadd.s32 v8, v27;
	v8 =	vmovc v15  }
0x1ac: {  	s5 =	sadd.s32 $0xFFFFFFD0, s29;
	s7 =	sadd.s32 $0xFFFFFFE0, s29;
	s6 =	sand.u32 $0x3FFFFF80, s1;
	v14 =	vld.idx.msk [tilespmem:v22+s9+$0x0], $0xffff;
	v15 =	vor.u32 s30, v17;
	v17 =	vor.u32 s31, v25;
	v22 =	vshll.u32 v26, $0xA  }
0x1ad: {  	s8 =	sadd.s32 $0xFFFFFFF0, s29;
	s5 =	sand.u32 $0x40, s5;
	s6 =	sadd.s32 $0x16800, s6;
	v20 =	vld.idx.msk [tilespmem:v20+s9+$0x0], $0xffff;
	v15 =	vadd.s32 s28, v15;
	v17 =	vadd.s32 s28, v17;
	v22 =	vor.u32 s25, v22  }
0x1ae: {  	s7 =	sand.u32 $0x50, s7;
	s8 =	sand.u32 $0x60, s8;
	s10 =	sor.u32 s5, s6;
	v19 =	vld.idx.msk [tilespmem:v19+s9+$0x0], $0xffff;
	v15 =	vor.u32 v0, v15;
	v17 =	vor.u32 v0, v17;
	v22 =	vadd.s32 s28, v22  }
0x1af: {  	s15 =	sand.u32 $0x70, s29;
	vm1 =	vgt.f32 v18, v10;
	s12 =	sor.u32 s7, s6;
	s13 =	sor.u32 s8, s6;
	vm0 =	vle.f32 v21, v10;
	v10 =	vld [tilespmem:s10+$0x0];
	v18 =	vor.u32 v0, v22  }
0x1b0: {  	s30 =	smov.u32 s23;
	s23 =	smov.u32 s7;
	s6 =	sor.u32 s15, s6;
	v25 =	vsel vm1, $0xFFFFFFFF, v2;
	v22 =	vsel vm0, $0x1, v2;
	v21 =	vld [tilespmem:s12+$0x0]  }
0x1b1: {  	s31 =	smov.u32 s22;
	s22 =	smov.u32 s8;
	s25 =	smov.u32 s21;
	v22 =	vadd.s32 v22, v25;
	vm0 =	vgt.f32 v16, v12;
	v27 =	vld [tilespmem:s13+$0x0]  }
0x1b2: {  	s21 =	smov.u32 s15;
	v22 =	vadd.s32 v13, v22;
	vm1 =	vle.f32 v14, v12;
	v28 =	vsel vm0, $0xFFFFFFFF, v2;
	v25 =	vld [tilespmem:s6+$0x0]  }
0x1b3: {  	v32 =	vshll.u32 v22, $0xA;
	v29 =	vsel vm1, $0x1, v2;
	vm0 =	vle.f32 v20, v7;
	v13 =	vld.idx.msk [tilespmem:v11+s9+$0x0], $0xffff;
	[tilespmem:v15+s3+$0x0] =	vst.idx.msk $0xffff, v5  }
0x1b4: {  	s28 =	sand.u32 $0xFFFFFF80, s24;
	s24 =	smov.u32 s1;
	v20 =	vor.u32 s26, v32;
	vm1 =	vle.f32 v19, v6;
	s26 =	smov.u32 s5;
	v14 =	vmul.f32 $3.100000000e+01, v10;
	v30 =	vld.idx.msk [tilespmem:v8+s9+$0x0], $0xffff;
	[tilespmem:s20+$0xFFFFFFF0] =	vst v23  }
0x1b5: {  	v31 =	vsel vm0, $0x1, v2;
	v16 =	vadd.s32 s28, v20;
	v15 =	vmul.f32 $3.100000000e+01, v21;
	[tilespmem:v17+s3+$0x0] =	vst.idx.msk $0xffff, v5;
	v12 =	vmovc v21  }
0x1b6: {  	v16 =	vor.u32 v4, v16;
	v14 =	vtrunc.f32 v14;
	v17 =	vmul.f32 $3.100000000e+01, v27;
	[tilespmem:s20+$0x0] =	vst v24  }
0x1b7: {  	v20 =	vor.u32 v3, v16;
	v14 =	vcvt.f32.s32 v14;
	v19 =	vmul.f32 $3.100000000e+01, v25;
	[tilespmem:v18+s3+$0x0] =	vst.idx.msk $0xffff, v5  }
0x1b8: {  	v16 =	vsel vm1, $0x1, v2;
	v15 =	vtrunc.f32 v15;
	v17 =	vtrunc.f32 v17;
	[tilespmem:s20+$0x10] =	vst v26  }
0x1b9: {  	v15 =	vcvt.f32.s32 v15;
	v14 =	vadd.s32 $0x1, v14;
	v18 =	vtrunc.f32 v19  }
0x1ba: {  	v17 =	vcvt.f32.s32 v17;
	vm0 =	vgt.s32 v14, $0x0;
	v18 =	vcvt.f32.s32 v18  }
0x1bb: {  	v15 =	vadd.s32 $0x1, v15;
	v14 =	vnsel vm0, $0x0, v14;
	vm0 =	vgt.f32 v13, v7;
	v7 =	vmovc v27  }
0x1bc: {  	s20 =	sadd.s32 $0x40, s20;
	v13 =	vmin.u32 v14, $0x20;
	v14 =	vadd.s32 $0x1, v17;
	v18 =	vadd.s32 $0x1, v18;
	[tilespmem:v20+s3+$0x0] =	vst.idx.msk $0xffff, v5  }
0x1bd: {  	vm1 =	vgt.s32 v15, $0x0;
	v21 =	vadd.s32 $0x1, v13;
	vm2 =	vgt.s32 v14, $0x0;
	[tilespmem:s20+$0xFFFFFFE0] =	vst v22  }
.Ltmp9:
0x1be: {  	v15 =	vnsel vm1, $0x0, v15;
	vm1 =	vgt.s32 v18, $0x0;
	v14 =	vnsel vm2, $0x0, v14;
	(pc) =	sbr.rel @p0 .LBB2_20-.Ltmp9, $4  }
0x1bf: {  	v17 =	vmin.u32 v15, $0x20;
	v15 =	vnsel vm1, $0x0, v18;
	v14 =	vmin.u32 v14, $0x20  }
0x1c0: {  	v22 =	vadd.s32 $0x1, v17;
	v15 =	vmin.u32 v15, $0x20;
	v20 =	vadd.s32 $0x1, v14  }
0x1c1: {  	v24 =	vsel vm0, $0xFFFFFFFF, v2;
	vm0 =	vgt.f32 v30, v6;
	v6 =	vmovc v25;
	v19 =	vadd.s32 $0x1, v15;
	v18 =	vld.idx.msk [tilespmem:v13+s9+$0x0], $0xffff  }
0x1c2: {  	v23 =	vadd.s32 v29, v28;
	v24 =	vadd.s32 v31, v24;
	v25 =	vsel vm0, $0xFFFFFFFF, v2;
	v21 =	vld.idx.msk [tilespmem:v21+s9+$0x0], $0xffff  }
0x1c3: {  	_ =	sdelay $0x3  }
0x1c4: {  	v39 =	vld.idx.msk [tilespmem:v17+s9+$0x0], $0xffff  }
0x1c5: {  	v22 =	vld.idx.msk [tilespmem:v22+s9+$0x0], $0xffff  }
0x1c6: {  	v9 =	vadd.s32 v9, v23;
	v11 =	vadd.s32 v11, v24;
	v16 =	vadd.s32 v16, v25;
	v41 =	vld.idx.msk [tilespmem:v20+s9+$0x0], $0xffff  }
0x1c7: {  	v19 =	vld.idx.msk [tilespmem:v19+s9+$0x0], $0xffff;
	v23 =	vshll.u32 v9, $0xA;
	v24 =	vshll.u32 v11, $0xA;
	v8 =	vadd.s32 v8, v16  }
0x1c8: {  	v47 =	vld.idx.msk [tilespmem:v14+s9+$0x0], $0xffff;
	v23 =	vor.u32 s30, v23;
	v24 =	vor.u32 s31, v24;
	v40 =	vshll.u32 v8, $0xA  }
0x1c9: {  	v50 =	vld.idx.msk [tilespmem:v15+s9+$0x0], $0xffff;
	v23 =	vadd.s32 s28, v23;
	vm1 =	vgt.f32 v18, v10;
	v42 =	vadd.s32 s28, v24  }
0x1ca: {  	v45 =	vor.u32 s25, v40;
	vm0 =	vle.f32 v21, v10;
	v44 =	vsel vm1, $0xFFFFFFFF, v2  }
0x1cb: {  	v23 =	vor.u32 v0, v23;
	v18 =	vor.u32 v0, v42;
	v46 =	vadd.s32 s28, v45  }
0x1cc: {  	v43 =	vsel vm0, $0x1, v2;
	v21 =	vor.u32 v0, v46;
	vm10 =	vgt.f32 v39, v12  }
0x1cd: {  	vm11 =	vle.f32 v22, v12;
	vm12 =	vle.f32 v41, v7;
	vm13 =	vle.f32 v19, v6  }
0x1ce: {  	vm14 =	vgt.f32 v47, v7;
	vm15 =	vgt.f32 v50, v6;
	v20 =	vadd.s32 v43, v44  }
0x1cf: {  	v49 =	vsel vm10, $0xFFFFFFFF, v2;
	v51 =	vsel vm11, $0x1, v2;
	v53 =	vsel vm12, $0x1, v2  }
0x1d0: {  	v54 =	vsel vm13, $0x1, v2;
	v55 =	vsel vm14, $0xFFFFFFFF, v2;
	v13 =	vadd.s32 v13, v20  }
0x1d1: {  	v57 =	vsel vm15, $0xFFFFFFFF, v2;
	v7 =	vadd.s32 v51, v49;
	v48 =	vshll.u32 v13, $0xA  }
0x1d2: {  	s0 =	sand.u32 $0xFFFFFF80, s24;
	v6 =	vadd.s32 v53, v55;
	v7 =	vadd.s32 v17, v7;
	v16 =	vor.u32 s26, v48  }
0x1d3: {  	v6 =	vadd.s32 v14, v6;
	[tilespmem:v23+s3+$0x0] =	vst.idx.msk $0xffff, v5;
	v56 =	vshll.u32 v7, $0xA;
	v52 =	vadd.s32 s0, v16  }
0x1d4: {  	[tilespmem:v18+s3+$0x0] =	vst.idx.msk $0xffff, v5;
	v59 =	vshll.u32 v6, $0xA;
	v58 =	vor.u32 s23, v56;
	v10 =	vor.u32 v4, v52  }
0x1d5: {  	[tilespmem:s20+$0xFFFFFFF0] =	vst v9;
	v60 =	vor.u32 s22, v59;
	v14 =	vadd.s32 s0, v58;
	v10 =	vor.u32 v3, v10  }
0x1d6: {  	v9 =	vadd.s32 v54, v57;
	[tilespmem:s20+$0x0] =	vst v11;
	v11 =	vadd.s32 s0, v60;
	v61 =	vor.u32 v0, v14  }
0x1d7: {  	v9 =	vadd.s32 v15, v9;
	v11 =	vor.u32 v0, v11  }
0x1d8: {  	[tilespmem:v21+s3+$0x0] =	vst.idx.msk $0xffff, v5;
	v62 =	vshll.u32 v9, $0xA  }
0x1d9: {  	[tilespmem:s20+$0x10] =	vst v8;
	v63 =	vor.u32 s21, v62  }
0x1da: {  	v8 =	vadd.s32 s0, v63;
	[tilespmem:v10+s3+$0x0] =	vst.idx.msk $0xffff, v5  }
0x1db: {  	v8 =	vor.u32 v0, v8;
	[tilespmem:v61+s3+$0x0] =	vst.idx.msk $0xffff, v5  }
0x1dc: {  	s1 =	sadd.s32 $0x40, s20;
	[tilespmem:v11+s3+$0x0] =	vst.idx.msk $0xffff, v5  }
0x1dd: {  	[tilespmem:s1+$0xFFFFFFE0] =	vst v13  }
0x1de: {  	[tilespmem:s1+$0xFFFFFFF0] =	vst v7  }
0x1df: {  	[tilespmem:s1+$0x0] =	vst v6  }
0x1e0: {  	[tilespmem:v8+s3+$0x0] =	vst.idx.msk $0xffff, v5  }
0x1e1: {  	[tilespmem:s1+$0x10] =	vst v9  }
0x1e2: {  	s29 =	rddreg [dreg:$0x6]  }
0x1e3: {  	[hbm4b:s29+s11] =	stream.strided.scatter [tilespmem:s3], [sflag:$0x2], $0x8400, s16, s11, $0x38;
	[tilespmem:$0x17430] =	vst v63  }
0x1e4: {  	_ =	swait.ge [sflag:s17], $0x8400  }
0x1e5: {  	[sflag:s17] =	ssyncset.done $0x0  }
0x1e6: {  	[sflag:s17] =	ssyncadd.s32 $0xFFFF7C00  }
0x1e7: {  	_ =	swait.ge [sflag:s18], $0x8400  }
0x1e8: {  	s30 =	rddreg [dreg:$0x8]  }
0x1e9: {  	s31 =	rddreg [dreg:$0x7];
	s1 =	sadd.s32 $0x1, s30  }
0x1ea: {  	p0 =	sne.s32 s1, s31  }
.Ltmp10:
0x1eb: {  	_ = 	snop;
	(pc) =	sbr.rel @p0 .LBB2_1-.Ltmp10, $3  }
0x1ec: {  	_ =	sdelay $0x1  }
0x1ed: {  	[sflag:s18] =	ssyncset.done $0x0  }
0x1ee: {  	[sflag:s18] =	ssyncadd.s32 $0xFFFF7C00  }
0x1ef: {  	_ =	sfence.sel $0x180000  }
0x1f0: {  	[bflag:$0x0] =	sbarrier.arrive $0xFFFF  }
0x1f1: {  	_ =	strace $0x90000047  }
0x1f2: {  	s0 =	stileid.u32;
	[bflag:$0x2] =	sbarrier.arrive $0xFFFF  }
0x1f3: {  	p0 =	sne.s32 s0, $0x0;
	s0 =	rddreg [dreg:$0x3]  }
0x1f4: {  	s0 =	sadd.s32 @!p0 $0x100000, s0  }
0x1f5: {  	[sflag:s0] =	ssyncadd.tile.s32 @!p0 $0x1;
	_ =	shalt  }
.Lfunc_end2:
_tile_overlayer_lowered:
.L_overlay_start_2:
0x1f6: {  	(tag) =	ssettag $0x2  }
0x1f7: {  	s0 =	rddreg [dreg:$0x0];
	s2 =	stileid.u32  }
0x1f8: {  	s1 =	rddreg [dreg:$0x1];
	p0 =	sne.s32 s2, $0x0  }
0x1f9: {  	s3 =	rddreg [dreg:$0x2];
	[bflag:$0x3] =	sbarrier.arrive $0xFFFF;
	s2 =	simm.s32 @!p0 $0x1C04  }
0x1fa: {  	[timem:s3], [sflag:s2] =	dma.local @!p0 [hbm:s0], s1  }
0x1fb: {  	s0 =	simm.s32 @!p0 $0x4  }
0x1fc: {  	_ =	swait.ge @!p0 [sflag:s0], s1  }
0x1fd: {  	s1 =	ssub.s32 @!p0 $0x0, s1;
	[sflag:s0] =	ssyncset.done @!p0 $0x0  }
0x1fe: {  	[sflag:s0] =	ssyncadd.s32 @!p0 s1  }
0x1ff: {  	[bflag:$0x3] =	sbarrier.arrive $0xFFFF  }
0x200: {  	_ =	shalt  }

</sc_bundles>
